<compile_context>
chip_gen: v7x
topology: tpu7x:2x2x1
jax: 0.10.2.dev20260603
libtpu: 0.0.44.dev20260713+nightly
codegen_flags: <defaults>
</compile_context>

<pallas_src>
import functools

import jax
import jax.numpy as jnp
from jax import lax
from jax.experimental import pallas as pl
from jax.experimental.pallas import tpu as pltpu
from jax.experimental.pallas import tpu_sc as plsc


def _table_body(emb_ref, w_ref, b_ref, g_ref, beta_ref, out_ref):
    h = lax.dot_general(
        emb_ref[...], w_ref[...], (((1,), (1,)), ((), ())),
        preferred_element_type=jnp.float32,
    )
    h = h + b_ref[...]
    mu = jnp.mean(h, axis=-1, keepdims=True)
    d = h - mu
    var = jnp.mean(d * d, axis=-1, keepdims=True)
    out_ref[...] = (d * lax.rsqrt(var + 1e-5)) * g_ref[...] + beta_ref[...]


def _make_table(emb, W, b, gamma, beta):
    V, D = emb.shape
    return pl.pallas_call(
        _table_body,
        out_shape=jax.ShapeDtypeStruct((V, D), jnp.float32),
    )(emb, W, b.reshape(1, D), gamma.reshape(1, D), beta.reshape(1, D))


_NSLOT = 2
_RPC = 2


def _make_expand(B, L, V, D):
    L2 = L // 2
    N2 = (B * L) // 2
    pr_per_w = N2 // 32
    rows_per_w = B // 32
    chunk_pr = _RPC * L2
    n_outer = rows_per_w // (_RPC * _NSLOT)
    pr_per_sc = N2 // 2
    mesh = plsc.VectorSubcoreMesh(core_axis_name="c", subcore_axis_name="s")

    scratch = (
        [pltpu.VMEM((V * D,), jnp.float32),
         pltpu.VMEM_SHARED((pr_per_sc,), jnp.int32),
         pltpu.SMEM((_NSLOT * chunk_pr,), jnp.int32)]
        + [pltpu.VMEM((_RPC, L, D), jnp.float32) for _ in range(_NSLOT)]
        + [pltpu.SemaphoreType.DMA for _ in range(_NSLOT + 1)]
    )

    @functools.partial(
        pl.kernel,
        out_type=jax.ShapeDtypeStruct((B, L, D), jnp.float32),
        mesh=mesh,
        scratch_types=scratch,
        compiler_params=pltpu.CompilerParams(needs_layout_passes=False),
    )
    def expand_k(tab_hbm, pidx_hbm, out_hbm, *refs):
        tab_v = refs[0]
        p_sh = refs[1]
        p_sm = refs[2]
        bufs = refs[3:3 + _NSLOT]
        sem_s = refs[3 + _NSLOT:3 + 2 * _NSLOT]
        sem_ld = refs[3 + 2 * _NSLOT]

        cid = lax.axis_index("c")
        sid = lax.axis_index("s")
        wid = cid * 16 + sid
        row0 = pl.multiple_of(wid * rows_per_w, rows_per_w)

        pltpu.async_copy(tab_hbm, tab_v, sem_ld)

        @pl.when(sid == 0)
        def _():
            r0 = pl.multiple_of(cid * pr_per_sc, pr_per_sc)
            pltpu.sync_copy(pidx_hbm.at[pl.ds(r0, pr_per_sc)], p_sh)

        pltpu.make_async_copy(tab_hbm, tab_v, sem_ld).wait()
        plsc.subcore_barrier()

        def expand_chunk(sm_p0, buf):
            @plsc.parallel_loop(0, L2, 1, unroll=2)
            def pair(j):
                for r in range(_RPC):
                    pidx = p_sm[sm_p0 + r * L2 + j]
                    tb0 = (pidx >> 4) * D
                    tb1 = (pidx & 15) * D
                    for k in range(D // 16):
                        buf[r, 2 * j, pl.ds(k * 16, 16)] = (
                            tab_v[pl.ds(tb0 + k * 16, 16)]
                        )
                    for k in range(D // 16):
                        buf[r, 2 * j + 1, pl.ds(k * 16, 16)] = (
                            tab_v[pl.ds(tb1 + k * 16, 16)]
                        )

        def fire_store(g, b):
            r = row0 + g * _RPC
            pltpu.async_copy(
                bufs[b], out_hbm.at[pl.ds(r, _RPC), :, :], sem_s[b]
            )

        def wait_store(b):
            pltpu.make_async_copy(
                bufs[b], out_hbm.at[pl.ds(row0, _RPC), :, :], sem_s[b]
            ).wait()

        def outer(i, carry):
            sp0 = sid * pr_per_w + i * _NSLOT * chunk_pr
            pltpu.sync_copy(
                p_sh.at[pl.ds(sp0, _NSLOT * chunk_pr)], p_sm
            )
            for b in range(_NSLOT):
                g = i * _NSLOT + b

                @pl.when(i > 0)
                def _():
                    wait_store(b)

                expand_chunk(b * chunk_pr, bufs[b])
                fire_store(g, b)
            return carry

        lax.fori_loop(0, n_outer, outer, 0)
        for b in range(_NSLOT):
            wait_store(b)

    return expand_k


def kernel(x, emb, W, b, gamma, beta):
    B, L = x.shape
    V, D = emb.shape
    xi = x.astype(jnp.int32)
    pidx = (xi[:, 0::2] * V + xi[:, 1::2]).reshape(-1)
    table = _make_table(emb, W, b, gamma, beta).reshape(-1)
    expand = _make_expand(B, L, V, D)
    return lax.optimization_barrier(expand(table, pidx))

# --- scband reference (transcript-rebuilt; emitter-appended) ---
"""Pipeline reference for scband-risk-embedding-47674136985849 (READ-ONLY COPY).

The authoritative reference and input builder live on the scoring server;
editing this copy changes nothing except your own understanding.
"""

import jax, jax.numpy as jnp
import numpy as np

D = 64
VOCAB = 16
B, L = 4096, 200


def setup_inputs(seed: int = 0) -> dict:
    key = jax.random.key(seed)
    k1, k2, k3, k4 = jax.random.split(key, 4)
    x = jax.random.randint(k1, (B, L), 0, VOCAB, dtype=jnp.int64) if jax.config.read('jax_enable_x64') else jax.random.randint(k1, (B, L), 0, VOCAB, dtype=jnp.int32)
    emb = jax.random.normal(k2, (VOCAB, D), dtype=jnp.float32)
    W = jax.random.normal(k3, (D, D), dtype=jnp.float32) * (1.0 / np.sqrt(D))
    b = jax.random.normal(k4, (D,), dtype=jnp.float32) * 0.01
    gamma = jnp.ones((D,), dtype=jnp.float32)
    beta = jnp.zeros((D,), dtype=jnp.float32)
    return {"x": x, "emb": emb, "W": W, "b": b, "gamma": gamma, "beta": beta}


def reference(x, emb, W, b, gamma, beta):
    # embedding lookup (gather)
    h = jnp.take(emb, x, axis=0)            # [B, L, D]
    # linear: torch nn.Linear computes h @ W.T + b
    h = jnp.einsum('bld,ed->ble', h, W) + b
    # layer norm over last dim, eps=1e-5
    mu = jnp.mean(h, axis=-1, keepdims=True)
    var = jnp.mean(jnp.square(h - mu), axis=-1, keepdims=True)
    h = (h - mu) / jnp.sqrt(var + 1e-5)
    return h * gamma + beta

if __name__ == "__main__":
    import jax
    _d = setup_inputs()
    print(jax.jit(kernel)(*tuple(_d.values())))

</pallas_src>

<mosaic_0001>
#map = affine_map<(d0, d1) -> (0)>
#map1 = affine_map<(d0, d1) -> (0, 0, 0)>
module attributes {stable_mosaic.version = 14 : i64} {
  func.func @expand_k(%arg0: i32, %arg1: i32, %arg2: memref<1024xf32, #tpu.memory_space<hbm>>, %arg3: memref<409600xi32, #tpu.memory_space<hbm>>, %arg4: memref<4096x200x64xf32, #tpu.memory_space<hbm>>, %arg5: memref<1024xf32, #tpu.memory_space<vmem>>, %arg6: memref<204800xi32, #tpu.memory_space<vmem_shared>>, %arg7: memref<400xi32, #tpu.memory_space<smem>>, %arg8: memref<2x200x64xf32, #tpu.memory_space<vmem>>, %arg9: memref<2x200x64xf32, #tpu.memory_space<vmem>>, %arg10: memref<!tpu.dma_semaphore, #tpu.memory_space<semaphore_mem>>, %arg11: memref<!tpu.dma_semaphore, #tpu.memory_space<semaphore_mem>>, %arg12: memref<!tpu.dma_semaphore, #tpu.memory_space<semaphore_mem>>) attributes {dimension_semantics = [#tpu.dimension_semantics<core_parallel>, #tpu.dimension_semantics<subcore_parallel>], iteration_bounds = array<i64: 2, 16>, scalar_prefetch = 0 : i64, scratch_operands = 8 : i64, tpu.core_type = #tpu.core_type<sc_vector_subcore>, window_params = [{transform_indices = #map}, {transform_indices = #map}, {transform_indices = #map1}]} {
    %mul3A = arith.constant 16 : i32
    %mul3A_0 = arith.muli %arg0, %mul3A : i32
    %add3A = arith.addi %mul3A_0, %arg1 : i32
    %mul3A_1 = arith.constant 128 : i32
    %mul3A_2 = arith.muli %add3A, %mul3A_1 : i32
    %multiple_of3A = tpu.assume_multiple %mul3A_2, 128 : i32
    tpu.enqueue_dma source(%arg2 : memref<1024xf32, #tpu.memory_space<hbm>>) target(%arg5 : memref<1024xf32, #tpu.memory_space<vmem>>) target_semaphore(%arg12 : memref<!tpu.dma_semaphore, #tpu.memory_space<semaphore_mem>>)
    %eq3A = arith.constant 0 : i32
    %eq3A_3 = arith.cmpi eq, %arg1, %eq3A : i32
    %convert_element_type3A = arith.extui %eq3A_3 : i1 to i32
    %cond3A = arith.constant 0 : i32
    %cond3A_4 = arith.cmpi ne, %convert_element_type3A, %cond3A : i32
    scf.if %cond3A_4 {
      %mul3A_21 = arith.constant 204800 : i32
      %mul3A_22 = arith.muli %arg0, %mul3A_21 : i32
      %multiple_of3A_23 = tpu.assume_multiple %mul3A_22, 204800 : i32
      "tpu.region"() ({
        %run_scoped3A = tpu.sem_alloc : memref<!tpu.dma_semaphore, #tpu.memory_space<semaphore_mem>>
        %dma_start3A = tpu.memref_slice %arg3[%multiple_of3A_23] : memref<409600xi32, #tpu.memory_space<hbm>> -> memref<204800xi32, #tpu.memory_space<hbm>>
        tpu.enqueue_dma source(%dma_start3A : memref<204800xi32, #tpu.memory_space<hbm>>) target(%arg6 : memref<204800xi32, #tpu.memory_space<vmem_shared>>) target_semaphore(%run_scoped3A : memref<!tpu.dma_semaphore, #tpu.memory_space<semaphore_mem>>)
        %dma_wait3A_24 = tpu.memref_slice %arg3[%multiple_of3A_23] : memref<409600xi32, #tpu.memory_space<hbm>> -> memref<204800xi32, #tpu.memory_space<hbm>>
        tpu.wait_dma2 semaphore(%run_scoped3A : memref<!tpu.dma_semaphore, #tpu.memory_space<semaphore_mem>>) src(%dma_wait3A_24 : memref<204800xi32, #tpu.memory_space<hbm>>) dst(%arg6 : memref<204800xi32, #tpu.memory_space<vmem_shared>>)
        tpu.yield
      }) : () -> ()
    } else {
    }
    tpu.wait_dma2 semaphore(%arg12 : memref<!tpu.dma_semaphore, #tpu.memory_space<semaphore_mem>>) src(%arg2 : memref<1024xf32, #tpu.memory_space<hbm>>) dst(%arg5 : memref<1024xf32, #tpu.memory_space<vmem>>)
    %barrier3A = arith.constant 0 : index
    tpu.barrier barrier_id(%barrier3A)
    %scan3A = arith.constant 0 : i32
    %scan3A_5 = arith.constant 0 : i32
    %scan3A_6 = arith.constant 32 : i32
    %scan3A_7 = arith.addi %scan3A_5, %scan3A_6 : i32
    %scan3A_8 = arith.constant 1 : i32
    scf.for %scan3A_21 = %scan3A_5 to %scan3A_7 step %scan3A_8  : i32 {
      %mul3A_22 = arith.constant 12800 : i32
      %mul3A_23 = arith.muli %arg1, %mul3A_22 : i32
      %mul3A_24 = arith.constant 2 : i32
      %mul3A_25 = arith.muli %scan3A_21, %mul3A_24 : i32
      %mul3A_26 = arith.constant 200 : i32
      %mul3A_27 = arith.muli %mul3A_25, %mul3A_26 : i32
      %add3A_28 = arith.addi %mul3A_23, %mul3A_27 : i32
      "tpu.region"() ({
        %run_scoped3A = tpu.sem_alloc : memref<!tpu.dma_semaphore, #tpu.memory_space<semaphore_mem>>
        %dma_start3A_68 = tpu.memref_slice %arg6[%add3A_28] : memref<204800xi32, #tpu.memory_space<vmem_shared>> -> memref<400xi32, #tpu.memory_space<vmem_shared>>
        tpu.enqueue_dma source(%dma_start3A_68 : memref<400xi32, #tpu.memory_space<vmem_shared>>) target(%arg7 : memref<400xi32, #tpu.memory_space<smem>>) target_semaphore(%run_scoped3A : memref<!tpu.dma_semaphore, #tpu.memory_space<semaphore_mem>>)
        %dma_wait3A_69 = tpu.memref_slice %arg6[%add3A_28] : memref<204800xi32, #tpu.memory_space<vmem_shared>> -> memref<400xi32, #tpu.memory_space<vmem_shared>>
        tpu.wait_dma2 semaphore(%run_scoped3A : memref<!tpu.dma_semaphore, #tpu.memory_space<semaphore_mem>>) src(%dma_wait3A_69 : memref<400xi32, #tpu.memory_space<vmem_shared>>) dst(%arg7 : memref<400xi32, #tpu.memory_space<smem>>)
        tpu.yield
      }) : () -> ()
      %mul3A_29 = arith.constant 2 : i32
      %mul3A_30 = arith.muli %scan3A_21, %mul3A_29 : i32
      %add3A_31 = arith.constant 0 : i32
      %add3A_32 = arith.addi %mul3A_30, %add3A_31 : i32
      %gt3A = arith.constant 0 : i32
      %gt3A_33 = arith.cmpi sgt, %scan3A_21, %gt3A : i32
      %convert_element_type3A_34 = arith.extui %gt3A_33 : i1 to i32
      %cond3A_35 = arith.constant 0 : i32
      %cond3A_36 = arith.cmpi ne, %convert_element_type3A_34, %cond3A_35 : i32
      scf.if %cond3A_36 {
        %dma_wait3A_68 = arith.constant 0 : i32
        %dma_wait3A_69 = arith.constant 0 : i32
        %dma_wait3A_70 = tpu.memref_slice %arg4[%multiple_of3A, %dma_wait3A_68, %dma_wait3A_69] : memref<4096x200x64xf32, #tpu.memory_space<hbm>> -> memref<2x200x64xf32, #tpu.memory_space<hbm>>
        %dma_wait3A_71 = arith.constant 0 : i32
        %dma_wait3A_72 = arith.constant 0 : i32
        %dma_wait3A_73 = tpu.memref_slice %arg4[%multiple_of3A, %dma_wait3A_71, %dma_wait3A_72] : memref<4096x200x64xf32, #tpu.memory_space<hbm>> -> memref<2x200x64xf32, #tpu.memory_space<hbm>>
        tpu.wait_dma2 semaphore(%arg10 : memref<!tpu.dma_semaphore, #tpu.memory_space<semaphore_mem>>) src(%arg8 : memref<2x200x64xf32, #tpu.memory_space<vmem>>) dst(%dma_wait3A_73 : memref<2x200x64xf32, #tpu.memory_space<hbm>>)
      } else {
      }
      %parallel_loop3A = arith.constant 0 : i32
      %parallel_loop3A_37 = arith.constant 100 : i32
      %parallel_loop3A_38 = arith.constant 1 : i32
      scf.for %parallel_loop3A_68 = %parallel_loop3A to %parallel_loop3A_37 step %parallel_loop3A_38  : i32 {
        %parallel_loop3A_69 = arith.constant 0 : i32
        %parallel_loop3A_70 = arith.addi %parallel_loop3A_69, %parallel_loop3A_68 : i32
        %parallel_loop3A_71 = arith.index_cast %parallel_loop3A_70 : i32 to index
        %parallel_loop3A_72 = memref.load %arg7[%parallel_loop3A_71] : memref<400xi32, #tpu.memory_space<smem>>
        %parallel_loop3A_73 = arith.constant 4 : i32
        %parallel_loop3A_74 = arith.shrsi %parallel_loop3A_72, %parallel_loop3A_73 : i32
        %parallel_loop3A_75 = arith.constant 64 : i32
        %parallel_loop3A_76 = arith.muli %parallel_loop3A_74, %parallel_loop3A_75 : i32
        %parallel_loop3A_77 = arith.constant 15 : i32
        %parallel_loop3A_78 = arith.andi %parallel_loop3A_72, %parallel_loop3A_77 : i32
        %parallel_loop3A_79 = arith.constant 64 : i32
        %parallel_loop3A_80 = arith.muli %parallel_loop3A_78, %parallel_loop3A_79 : i32
        %parallel_loop3A_81 = arith.constant 0 : i32
        %parallel_loop3A_82 = arith.addi %parallel_loop3A_76, %parallel_loop3A_81 : i32
        %parallel_loop3A_83 = arith.index_cast %parallel_loop3A_82 : i32 to index
        %parallel_loop3A_84 = tpu.vector_load %arg5[%parallel_loop3A_83] {strides = array<i32>} : memref<1024xf32, #tpu.memory_space<vmem>>, vector<16xf32>,
        %parallel_loop3A_85 = arith.constant 2 : i32
        %parallel_loop3A_86 = arith.muli %parallel_loop3A_85, %parallel_loop3A_68 : i32
        %parallel_loop3A_87 = arith.constant 0 : i32
        %parallel_loop3A_88 = arith.index_cast %parallel_loop3A_87 : i32 to index
        %parallel_loop3A_89 = arith.index_cast %parallel_loop3A_86 : i32 to index
        %parallel_loop3A_90 = arith.constant 0 : index
        %parallel_loop3A_91 = tpu.vector_load %arg8[%parallel_loop3A_88, %parallel_loop3A_89, %parallel_loop3A_90] {strides = array<i32>} : memref<2x200x64xf32, #tpu.memory_space<vmem>>, vector<16xf32>,
        tpu.vector_store %arg8[%parallel_loop3A_88, %parallel_loop3A_89, %parallel_loop3A_90], %parallel_loop3A_84 {strides = array<i32>} : memref<2x200x64xf32, #tpu.memory_space<vmem>>, vector<16xf32>,
        %parallel_loop3A_92 = arith.constant 16 : i32
        %parallel_loop3A_93 = arith.addi %parallel_loop3A_76, %parallel_loop3A_92 : i32
        %parallel_loop3A_94 = arith.index_cast %parallel_loop3A_93 : i32 to index
        %parallel_loop3A_95 = tpu.vector_load %arg5[%parallel_loop3A_94] {strides = array<i32>} : memref<1024xf32, #tpu.memory_space<vmem>>, vector<16xf32>,
        %parallel_loop3A_96 = arith.constant 2 : i32
        %parallel_loop3A_97 = arith.muli %parallel_loop3A_96, %parallel_loop3A_68 : i32
        %parallel_loop3A_98 = arith.constant 0 : i32
        %parallel_loop3A_99 = arith.index_cast %parallel_loop3A_98 : i32 to index
        %parallel_loop3A_100 = arith.index_cast %parallel_loop3A_97 : i32 to index
        %parallel_loop3A_101 = arith.constant 16 : index
        %parallel_loop3A_102 = tpu.vector_load %arg8[%parallel_loop3A_99, %parallel_loop3A_100, %parallel_loop3A_101] {strides = array<i32>} : memref<2x200x64xf32, #tpu.memory_space<vmem>>, vector<16xf32>,
        tpu.vector_store %arg8[%parallel_loop3A_99, %parallel_loop3A_100, %parallel_loop3A_101], %parallel_loop3A_95 {strides = array<i32>} : memref<2x200x64xf32, #tpu.memory_space<vmem>>, vector<16xf32>,
        %parallel_loop3A_103 = arith.constant 32 : i32
        %parallel_loop3A_104 = arith.addi %parallel_loop3A_76, %parallel_loop3A_103 : i32
        %parallel_loop3A_105 = arith.index_cast %parallel_loop3A_104 : i32 to index
        %parallel_loop3A_106 = tpu.vector_load %arg5[%parallel_loop3A_105] {strides = array<i32>} : memref<1024xf32, #tpu.memory_space<vmem>>, vector<16xf32>,
        %parallel_loop3A_107 = arith.constant 2 : i32
        %parallel_loop3A_108 = arith.muli %parallel_loop3A_107, %parallel_loop3A_68 : i32
        %parallel_loop3A_109 = arith.constant 0 : i32
        %parallel_loop3A_110 = arith.index_cast %parallel_loop3A_109 : i32 to index
        %parallel_loop3A_111 = arith.index_cast %parallel_loop3A_108 : i32 to index
        %parallel_loop3A_112 = arith.constant 32 : index
        %parallel_loop3A_113 = tpu.vector_load %arg8[%parallel_loop3A_110, %parallel_loop3A_111, %parallel_loop3A_112] {strides = array<i32>} : memref<2x200x64xf32, #tpu.memory_space<vmem>>, vector<16xf32>,
        tpu.vector_store %arg8[%parallel_loop3A_110, %parallel_loop3A_111, %parallel_loop3A_112], %parallel_loop3A_106 {strides = array<i32>} : memref<2x200x64xf32, #tpu.memory_space<vmem>>, vector<16xf32>,
        %parallel_loop3A_114 = arith.constant 48 : i32
        %parallel_loop3A_115 = arith.addi %parallel_loop3A_76, %parallel_loop3A_114 : i32
        %parallel_loop3A_116 = arith.index_cast %parallel_loop3A_115 : i32 to index
        %parallel_loop3A_117 = tpu.vector_load %arg5[%parallel_loop3A_116] {strides = array<i32>} : memref<1024xf32, #tpu.memory_space<vmem>>, vector<16xf32>,
        %parallel_loop3A_118 = arith.constant 2 : i32
        %parallel_loop3A_119 = arith.muli %parallel_loop3A_118, %parallel_loop3A_68 : i32
        %parallel_loop3A_120 = arith.constant 0 : i32
        %parallel_loop3A_121 = arith.index_cast %parallel_loop3A_120 : i32 to index
        %parallel_loop3A_122 = arith.index_cast %parallel_loop3A_119 : i32 to index
        %parallel_loop3A_123 = arith.constant 48 : index
        %parallel_loop3A_124 = tpu.vector_load %arg8[%parallel_loop3A_121, %parallel_loop3A_122, %parallel_loop3A_123] {strides = array<i32>} : memref<2x200x64xf32, #tpu.memory_space<vmem>>, vector<16xf32>,
        tpu.vector_store %arg8[%parallel_loop3A_121, %parallel_loop3A_122, %parallel_loop3A_123], %parallel_loop3A_117 {strides = array<i32>} : memref<2x200x64xf32, #tpu.memory_space<vmem>>, vector<16xf32>,
        %parallel_loop3A_125 = arith.constant 0 : i32
        %parallel_loop3A_126 = arith.addi %parallel_loop3A_80, %parallel_loop3A_125 : i32
        %parallel_loop3A_127 = arith.index_cast %parallel_loop3A_126 : i32 to index
        %parallel_loop3A_128 = tpu.vector_load %arg5[%parallel_loop3A_127] {strides = array<i32>} : memref<1024xf32, #tpu.memory_space<vmem>>, vector<16xf32>,
        %parallel_loop3A_129 = arith.constant 2 : i32
        %parallel_loop3A_130 = arith.muli %parallel_loop3A_129, %parallel_loop3A_68 : i32
        %parallel_loop3A_131 = arith.constant 1 : i32
        %parallel_loop3A_132 = arith.addi %parallel_loop3A_130, %parallel_loop3A_131 : i32
        %parallel_loop3A_133 = arith.constant 0 : i32
        %parallel_loop3A_134 = arith.index_cast %parallel_loop3A_133 : i32 to index
        %parallel_loop3A_135 = arith.index_cast %parallel_loop3A_132 : i32 to index
        %parallel_loop3A_136 = arith.constant 0 : index
        %parallel_loop3A_137 = tpu.vector_load %arg8[%parallel_loop3A_134, %parallel_loop3A_135, %parallel_loop3A_136] {strides = array<i32>} : memref<2x200x64xf32, #tpu.memory_space<vmem>>, vector<16xf32>,
        tpu.vector_store %arg8[%parallel_loop3A_134, %parallel_loop3A_135, %parallel_loop3A_136], %parallel_loop3A_128 {strides = array<i32>} : memref<2x200x64xf32, #tpu.memory_space<vmem>>, vector<16xf32>,
        %parallel_loop3A_138 = arith.constant 16 : i32
        %parallel_loop3A_139 = arith.addi %parallel_loop3A_80, %parallel_loop3A_138 : i32
        %parallel_loop3A_140 = arith.index_cast %parallel_loop3A_139 : i32 to index
        %parallel_loop3A_141 = tpu.vector_load %arg5[%parallel_loop3A_140] {strides = array<i32>} : memref<1024xf32, #tpu.memory_space<vmem>>, vector<16xf32>,
        %parallel_loop3A_142 = arith.constant 2 : i32
        %parallel_loop3A_143 = arith.muli %parallel_loop3A_142, %parallel_loop3A_68 : i32
        %parallel_loop3A_144 = arith.constant 1 : i32
        %parallel_loop3A_145 = arith.addi %parallel_loop3A_143, %parallel_loop3A_144 : i32
        %parallel_loop3A_146 = arith.constant 0 : i32
        %parallel_loop3A_147 = arith.index_cast %parallel_loop3A_146 : i32 to index
        %parallel_loop3A_148 = arith.index_cast %parallel_loop3A_145 : i32 to index
        %parallel_loop3A_149 = arith.constant 16 : index
        %parallel_loop3A_150 = tpu.vector_load %arg8[%parallel_loop3A_147, %parallel_loop3A_148, %parallel_loop3A_149] {strides = array<i32>} : memref<2x200x64xf32, #tpu.memory_space<vmem>>, vector<16xf32>,
        tpu.vector_store %arg8[%parallel_loop3A_147, %parallel_loop3A_148, %parallel_loop3A_149], %parallel_loop3A_141 {strides = array<i32>} : memref<2x200x64xf32, #tpu.memory_space<vmem>>, vector<16xf32>,
        %parallel_loop3A_151 = arith.constant 32 : i32
        %parallel_loop3A_152 = arith.addi %parallel_loop3A_80, %parallel_loop3A_151 : i32
        %parallel_loop3A_153 = arith.index_cast %parallel_loop3A_152 : i32 to index
        %parallel_loop3A_154 = tpu.vector_load %arg5[%parallel_loop3A_153] {strides = array<i32>} : memref<1024xf32, #tpu.memory_space<vmem>>, vector<16xf32>,
        %parallel_loop3A_155 = arith.constant 2 : i32
        %parallel_loop3A_156 = arith.muli %parallel_loop3A_155, %parallel_loop3A_68 : i32
        %parallel_loop3A_157 = arith.constant 1 : i32
        %parallel_loop3A_158 = arith.addi %parallel_loop3A_156, %parallel_loop3A_157 : i32
        %parallel_loop3A_159 = arith.constant 0 : i32
        %parallel_loop3A_160 = arith.index_cast %parallel_loop3A_159 : i32 to index
        %parallel_loop3A_161 = arith.index_cast %parallel_loop3A_158 : i32 to index
        %parallel_loop3A_162 = arith.constant 32 : index
        %parallel_loop3A_163 = tpu.vector_load %arg8[%parallel_loop3A_160, %parallel_loop3A_161, %parallel_loop3A_162] {strides = array<i32>} : memref<2x200x64xf32, #tpu.memory_space<vmem>>, vector<16xf32>,
        tpu.vector_store %arg8[%parallel_loop3A_160, %parallel_loop3A_161, %parallel_loop3A_162], %parallel_loop3A_154 {strides = array<i32>} : memref<2x200x64xf32, #tpu.memory_space<vmem>>, vector<16xf32>,
        %parallel_loop3A_164 = arith.constant 48 : i32
        %parallel_loop3A_165 = arith.addi %parallel_loop3A_80, %parallel_loop3A_164 : i32
        %parallel_loop3A_166 = arith.index_cast %parallel_loop3A_165 : i32 to index
        %parallel_loop3A_167 = tpu.vector_load %arg5[%parallel_loop3A_166] {strides = array<i32>} : memref<1024xf32, #tpu.memory_space<vmem>>, vector<16xf32>,
        %parallel_loop3A_168 = arith.constant 2 : i32
        %parallel_loop3A_169 = arith.muli %parallel_loop3A_168, %parallel_loop3A_68 : i32
        %parallel_loop3A_170 = arith.constant 1 : i32
        %parallel_loop3A_171 = arith.addi %parallel_loop3A_169, %parallel_loop3A_170 : i32
        %parallel_loop3A_172 = arith.constant 0 : i32
        %parallel_loop3A_173 = arith.index_cast %parallel_loop3A_172 : i32 to index
        %parallel_loop3A_174 = arith.index_cast %parallel_loop3A_171 : i32 to index
        %parallel_loop3A_175 = arith.constant 48 : index
        %parallel_loop3A_176 = tpu.vector_load %arg8[%parallel_loop3A_173, %parallel_loop3A_174, %parallel_loop3A_175] {strides = array<i32>} : memref<2x200x64xf32, #tpu.memory_space<vmem>>, vector<16xf32>,
        tpu.vector_store %arg8[%parallel_loop3A_173, %parallel_loop3A_174, %parallel_loop3A_175], %parallel_loop3A_167 {strides = array<i32>} : memref<2x200x64xf32, #tpu.memory_space<vmem>>, vector<16xf32>,
        %parallel_loop3A_177 = arith.constant 100 : i32
        %parallel_loop3A_178 = arith.addi %parallel_loop3A_177, %parallel_loop3A_68 : i32
        %parallel_loop3A_179 = arith.index_cast %parallel_loop3A_178 : i32 to index
        %parallel_loop3A_180 = memref.load %arg7[%parallel_loop3A_179] : memref<400xi32, #tpu.memory_space<smem>>
        %parallel_loop3A_181 = arith.constant 4 : i32
        %parallel_loop3A_182 = arith.shrsi %parallel_loop3A_180, %parallel_loop3A_181 : i32
        %parallel_loop3A_183 = arith.constant 64 : i32
        %parallel_loop3A_184 = arith.muli %parallel_loop3A_182, %parallel_loop3A_183 : i32
        %parallel_loop3A_185 = arith.constant 15 : i32
        %parallel_loop3A_186 = arith.andi %parallel_loop3A_180, %parallel_loop3A_185 : i32
        %parallel_loop3A_187 = arith.constant 64 : i32
        %parallel_loop3A_188 = arith.muli %parallel_loop3A_186, %parallel_loop3A_187 : i32
        %parallel_loop3A_189 = arith.constant 0 : i32
        %parallel_loop3A_190 = arith.addi %parallel_loop3A_184, %parallel_loop3A_189 : i32
        %parallel_loop3A_191 = arith.index_cast %parallel_loop3A_190 : i32 to index
        %parallel_loop3A_192 = tpu.vector_load %arg5[%parallel_loop3A_191] {strides = array<i32>} : memref<1024xf32, #tpu.memory_space<vmem>>, vector<16xf32>,
        %parallel_loop3A_193 = arith.constant 2 : i32
        %parallel_loop3A_194 = arith.muli %parallel_loop3A_193, %parallel_loop3A_68 : i32
        %parallel_loop3A_195 = arith.constant 1 : i32
        %parallel_loop3A_196 = arith.index_cast %parallel_loop3A_195 : i32 to index
        %parallel_loop3A_197 = arith.index_cast %parallel_loop3A_194 : i32 to index
        %parallel_loop3A_198 = arith.constant 0 : index
        %parallel_loop3A_199 = tpu.vector_load %arg8[%parallel_loop3A_196, %parallel_loop3A_197, %parallel_loop3A_198] {strides = array<i32>} : memref<2x200x64xf32, #tpu.memory_space<vmem>>, vector<16xf32>,
        tpu.vector_store %arg8[%parallel_loop3A_196, %parallel_loop3A_197, %parallel_loop3A_198], %parallel_loop3A_192 {strides = array<i32>} : memref<2x200x64xf32, #tpu.memory_space<vmem>>, vector<16xf32>,
        %parallel_loop3A_200 = arith.constant 16 : i32
        %parallel_loop3A_201 = arith.addi %parallel_loop3A_184, %parallel_loop3A_200 : i32
        %parallel_loop3A_202 = arith.index_cast %parallel_loop3A_201 : i32 to index
        %parallel_loop3A_203 = tpu.vector_load %arg5[%parallel_loop3A_202] {strides = array<i32>} : memref<1024xf32, #tpu.memory_space<vmem>>, vector<16xf32>,
        %parallel_loop3A_204 = arith.constant 2 : i32
        %parallel_loop3A_205 = arith.muli %parallel_loop3A_204, %parallel_loop3A_68 : i32
        %parallel_loop3A_206 = arith.constant 1 : i32
        %parallel_loop3A_207 = arith.index_cast %parallel_loop3A_206 : i32 to index
        %parallel_loop3A_208 = arith.index_cast %parallel_loop3A_205 : i32 to index
        %parallel_loop3A_209 = arith.constant 16 : index
        %parallel_loop3A_210 = tpu.vector_load %arg8[%parallel_loop3A_207, %parallel_loop3A_208, %parallel_loop3A_209] {strides = array<i32>} : memref<2x200x64xf32, #tpu.memory_space<vmem>>, vector<16xf32>,
        tpu.vector_store %arg8[%parallel_loop3A_207, %parallel_loop3A_208, %parallel_loop3A_209], %parallel_loop3A_203 {strides = array<i32>} : memref<2x200x64xf32, #tpu.memory_space<vmem>>, vector<16xf32>,
        %parallel_loop3A_211 = arith.constant 32 : i32
        %parallel_loop3A_212 = arith.addi %parallel_loop3A_184, %parallel_loop3A_211 : i32
        %parallel_loop3A_213 = arith.index_cast %parallel_loop3A_212 : i32 to index
        %parallel_loop3A_214 = tpu.vector_load %arg5[%parallel_loop3A_213] {strides = array<i32>} : memref<1024xf32, #tpu.memory_space<vmem>>, vector<16xf32>,
        %parallel_loop3A_215 = arith.constant 2 : i32
        %parallel_loop3A_216 = arith.muli %parallel_loop3A_215, %parallel_loop3A_68 : i32
        %parallel_loop3A_217 = arith.constant 1 : i32
        %parallel_loop3A_218 = arith.index_cast %parallel_loop3A_217 : i32 to index
        %parallel_loop3A_219 = arith.index_cast %parallel_loop3A_216 : i32 to index
        %parallel_loop3A_220 = arith.constant 32 : index
        %parallel_loop3A_221 = tpu.vector_load %arg8[%parallel_loop3A_218, %parallel_loop3A_219, %parallel_loop3A_220] {strides = array<i32>} : memref<2x200x64xf32, #tpu.memory_space<vmem>>, vector<16xf32>,
        tpu.vector_store %arg8[%parallel_loop3A_218, %parallel_loop3A_219, %parallel_loop3A_220], %parallel_loop3A_214 {strides = array<i32>} : memref<2x200x64xf32, #tpu.memory_space<vmem>>, vector<16xf32>,
        %parallel_loop3A_222 = arith.constant 48 : i32
        %parallel_loop3A_223 = arith.addi %parallel_loop3A_184, %parallel_loop3A_222 : i32
        %parallel_loop3A_224 = arith.index_cast %parallel_loop3A_223 : i32 to index
        %parallel_loop3A_225 = tpu.vector_load %arg5[%parallel_loop3A_224] {strides = array<i32>} : memref<1024xf32, #tpu.memory_space<vmem>>, vector<16xf32>,
        %parallel_loop3A_226 = arith.constant 2 : i32
        %parallel_loop3A_227 = arith.muli %parallel_loop3A_226, %parallel_loop3A_68 : i32
        %parallel_loop3A_228 = arith.constant 1 : i32
        %parallel_loop3A_229 = arith.index_cast %parallel_loop3A_228 : i32 to index
        %parallel_loop3A_230 = arith.index_cast %parallel_loop3A_227 : i32 to index
        %parallel_loop3A_231 = arith.constant 48 : index
        %parallel_loop3A_232 = tpu.vector_load %arg8[%parallel_loop3A_229, %parallel_loop3A_230, %parallel_loop3A_231] {strides = array<i32>} : memref<2x200x64xf32, #tpu.memory_space<vmem>>, vector<16xf32>,
        tpu.vector_store %arg8[%parallel_loop3A_229, %parallel_loop3A_230, %parallel_loop3A_231], %parallel_loop3A_225 {strides = array<i32>} : memref<2x200x64xf32, #tpu.memory_space<vmem>>, vector<16xf32>,
        %parallel_loop3A_233 = arith.constant 0 : i32
        %parallel_loop3A_234 = arith.addi %parallel_loop3A_188, %parallel_loop3A_233 : i32
        %parallel_loop3A_235 = arith.index_cast %parallel_loop3A_234 : i32 to index
        %parallel_loop3A_236 = tpu.vector_load %arg5[%parallel_loop3A_235] {strides = array<i32>} : memref<1024xf32, #tpu.memory_space<vmem>>, vector<16xf32>,
        %parallel_loop3A_237 = arith.constant 2 : i32
        %parallel_loop3A_238 = arith.muli %parallel_loop3A_237, %parallel_loop3A_68 : i32
        %parallel_loop3A_239 = arith.constant 1 : i32
        %parallel_loop3A_240 = arith.addi %parallel_loop3A_238, %parallel_loop3A_239 : i32
        %parallel_loop3A_241 = arith.constant 1 : i32
        %parallel_loop3A_242 = arith.index_cast %parallel_loop3A_241 : i32 to index
        %parallel_loop3A_243 = arith.index_cast %parallel_loop3A_240 : i32 to index
        %parallel_loop3A_244 = arith.constant 0 : index
        %parallel_loop3A_245 = tpu.vector_load %arg8[%parallel_loop3A_242, %parallel_loop3A_243, %parallel_loop3A_244] {strides = array<i32>} : memref<2x200x64xf32, #tpu.memory_space<vmem>>, vector<16xf32>,
        tpu.vector_store %arg8[%parallel_loop3A_242, %parallel_loop3A_243, %parallel_loop3A_244], %parallel_loop3A_236 {strides = array<i32>} : memref<2x200x64xf32, #tpu.memory_space<vmem>>, vector<16xf32>,
        %parallel_loop3A_246 = arith.constant 16 : i32
        %parallel_loop3A_247 = arith.addi %parallel_loop3A_188, %parallel_loop3A_246 : i32
        %parallel_loop3A_248 = arith.index_cast %parallel_loop3A_247 : i32 to index
        %parallel_loop3A_249 = tpu.vector_load %arg5[%parallel_loop3A_248] {strides = array<i32>} : memref<1024xf32, #tpu.memory_space<vmem>>, vector<16xf32>,
        %parallel_loop3A_250 = arith.constant 2 : i32
        %parallel_loop3A_251 = arith.muli %parallel_loop3A_250, %parallel_loop3A_68 : i32
        %parallel_loop3A_252 = arith.constant 1 : i32
        %parallel_loop3A_253 = arith.addi %parallel_loop3A_251, %parallel_loop3A_252 : i32
        %parallel_loop3A_254 = arith.constant 1 : i32
        %parallel_loop3A_255 = arith.index_cast %parallel_loop3A_254 : i32 to index
        %parallel_loop3A_256 = arith.index_cast %parallel_loop3A_253 : i32 to index
        %parallel_loop3A_257 = arith.constant 16 : index
        %parallel_loop3A_258 = tpu.vector_load %arg8[%parallel_loop3A_255, %parallel_loop3A_256, %parallel_loop3A_257] {strides = array<i32>} : memref<2x200x64xf32, #tpu.memory_space<vmem>>, vector<16xf32>,
        tpu.vector_store %arg8[%parallel_loop3A_255, %parallel_loop3A_256, %parallel_loop3A_257], %parallel_loop3A_249 {strides = array<i32>} : memref<2x200x64xf32, #tpu.memory_space<vmem>>, vector<16xf32>,
        %parallel_loop3A_259 = arith.constant 32 : i32
        %parallel_loop3A_260 = arith.addi %parallel_loop3A_188, %parallel_loop3A_259 : i32
        %parallel_loop3A_261 = arith.index_cast %parallel_loop3A_260 : i32 to index
        %parallel_loop3A_262 = tpu.vector_load %arg5[%parallel_loop3A_261] {strides = array<i32>} : memref<1024xf32, #tpu.memory_space<vmem>>, vector<16xf32>,
        %parallel_loop3A_263 = arith.constant 2 : i32
        %parallel_loop3A_264 = arith.muli %parallel_loop3A_263, %parallel_loop3A_68 : i32
        %parallel_loop3A_265 = arith.constant 1 : i32
        %parallel_loop3A_266 = arith.addi %parallel_loop3A_264, %parallel_loop3A_265 : i32
        %parallel_loop3A_267 = arith.constant 1 : i32
        %parallel_loop3A_268 = arith.index_cast %parallel_loop3A_267 : i32 to index
        %parallel_loop3A_269 = arith.index_cast %parallel_loop3A_266 : i32 to index
        %parallel_loop3A_270 = arith.constant 32 : index
        %parallel_loop3A_271 = tpu.vector_load %arg8[%parallel_loop3A_268, %parallel_loop3A_269, %parallel_loop3A_270] {strides = array<i32>} : memref<2x200x64xf32, #tpu.memory_space<vmem>>, vector<16xf32>,
        tpu.vector_store %arg8[%parallel_loop3A_268, %parallel_loop3A_269, %parallel_loop3A_270], %parallel_loop3A_262 {strides = array<i32>} : memref<2x200x64xf32, #tpu.memory_space<vmem>>, vector<16xf32>,
        %parallel_loop3A_272 = arith.constant 48 : i32
        %parallel_loop3A_273 = arith.addi %parallel_loop3A_188, %parallel_loop3A_272 : i32
        %parallel_loop3A_274 = arith.index_cast %parallel_loop3A_273 : i32 to index
        %parallel_loop3A_275 = tpu.vector_load %arg5[%parallel_loop3A_274] {strides = array<i32>} : memref<1024xf32, #tpu.memory_space<vmem>>, vector<16xf32>,
        %parallel_loop3A_276 = arith.constant 2 : i32
        %parallel_loop3A_277 = arith.muli %parallel_loop3A_276, %parallel_loop3A_68 : i32
        %parallel_loop3A_278 = arith.constant 1 : i32
        %parallel_loop3A_279 = arith.addi %parallel_loop3A_277, %parallel_loop3A_278 : i32
        %parallel_loop3A_280 = arith.constant 1 : i32
        %parallel_loop3A_281 = arith.index_cast %parallel_loop3A_280 : i32 to index
        %parallel_loop3A_282 = arith.index_cast %parallel_loop3A_279 : i32 to index
        %parallel_loop3A_283 = arith.constant 48 : index
        %parallel_loop3A_284 = tpu.vector_load %arg8[%parallel_loop3A_281, %parallel_loop3A_282, %parallel_loop3A_283] {strides = array<i32>} : memref<2x200x64xf32, #tpu.memory_space<vmem>>, vector<16xf32>,
        tpu.vector_store %arg8[%parallel_loop3A_281, %parallel_loop3A_282, %parallel_loop3A_283], %parallel_loop3A_275 {strides = array<i32>} : memref<2x200x64xf32, #tpu.memory_space<vmem>>, vector<16xf32>,
      } {sc.loop_unroll_factor = 2 : i64, sc.parallel_access}
      %mul3A_39 = arith.constant 2 : i32
      %mul3A_40 = arith.muli %add3A_32, %mul3A_39 : i32
      %add3A_41 = arith.addi %multiple_of3A, %mul3A_40 : i32
      %dma_start3A = arith.constant 0 : i32
      %dma_start3A_42 = arith.constant 0 : i32
      %dma_start3A_43 = tpu.memref_slice %arg4[%add3A_41, %dma_start3A, %dma_start3A_42] : memref<4096x200x64xf32, #tpu.memory_space<hbm>> -> memref<2x200x64xf32, #tpu.memory_space<hbm>>
      %dma_start3A_44 = arith.constant 0 : i32
      %dma_start3A_45 = arith.constant 0 : i32
      %dma_start3A_46 = tpu.memref_slice %arg4[%add3A_41, %dma_start3A_44, %dma_start3A_45] : memref<4096x200x64xf32, #tpu.memory_space<hbm>> -> memref<2x200x64xf32, #tpu.memory_space<hbm>>
      tpu.enqueue_dma source(%arg8 : memref<2x200x64xf32, #tpu.memory_space<vmem>>) target(%dma_start3A_46 : memref<2x200x64xf32, #tpu.memory_space<hbm>>) target_semaphore(%arg10 : memref<!tpu.dma_semaphore, #tpu.memory_space<semaphore_mem>>)
      %mul3A_47 = arith.constant 2 : i32
      %mul3A_48 = arith.muli %scan3A_21, %mul3A_47 : i32
      %add3A_49 = arith.constant 1 : i32
      %add3A_50 = arith.addi %mul3A_48, %add3A_49 : i32
      %gt3A_51 = arith.constant 0 : i32
      %gt3A_52 = arith.cmpi sgt, %scan3A_21, %gt3A_51 : i32
      %convert_element_type3A_53 = arith.extui %gt3A_52 : i1 to i32
      %cond3A_54 = arith.constant 0 : i32
      %cond3A_55 = arith.cmpi ne, %convert_element_type3A_53, %cond3A_54 : i32
      scf.if %cond3A_55 {
        %dma_wait3A_68 = arith.constant 0 : i32
        %dma_wait3A_69 = arith.constant 0 : i32
        %dma_wait3A_70 = tpu.memref_slice %arg4[%multiple_of3A, %dma_wait3A_68, %dma_wait3A_69] : memref<4096x200x64xf32, #tpu.memory_space<hbm>> -> memref<2x200x64xf32, #tpu.memory_space<hbm>>
        %dma_wait3A_71 = arith.constant 0 : i32
        %dma_wait3A_72 = arith.constant 0 : i32
        %dma_wait3A_73 = tpu.memref_slice %arg4[%multiple_of3A, %dma_wait3A_71, %dma_wait3A_72] : memref<4096x200x64xf32, #tpu.memory_space<hbm>> -> memref<2x200x64xf32, #tpu.memory_space<hbm>>
        tpu.wait_dma2 semaphore(%arg11 : memref<!tpu.dma_semaphore, #tpu.memory_space<semaphore_mem>>) src(%arg9 : memref<2x200x64xf32, #tpu.memory_space<vmem>>) dst(%dma_wait3A_73 : memref<2x200x64xf32, #tpu.memory_space<hbm>>)
      } else {
      }
      %parallel_loop3A_56 = arith.constant 0 : i32
      %parallel_loop3A_57 = arith.constant 100 : i32
      %parallel_loop3A_58 = arith.constant 1 : i32
      scf.for %parallel_loop3A_68 = %parallel_loop3A_56 to %parallel_loop3A_57 step %parallel_loop3A_58  : i32 {
        %parallel_loop3A_69 = arith.constant 200 : i32
        %parallel_loop3A_70 = arith.addi %parallel_loop3A_69, %parallel_loop3A_68 : i32
        %parallel_loop3A_71 = arith.index_cast %parallel_loop3A_70 : i32 to index
        %parallel_loop3A_72 = memref.load %arg7[%parallel_loop3A_71] : memref<400xi32, #tpu.memory_space<smem>>
        %parallel_loop3A_73 = arith.constant 4 : i32
        %parallel_loop3A_74 = arith.shrsi %parallel_loop3A_72, %parallel_loop3A_73 : i32
        %parallel_loop3A_75 = arith.constant 64 : i32
        %parallel_loop3A_76 = arith.muli %parallel_loop3A_74, %parallel_loop3A_75 : i32
        %parallel_loop3A_77 = arith.constant 15 : i32
        %parallel_loop3A_78 = arith.andi %parallel_loop3A_72, %parallel_loop3A_77 : i32
        %parallel_loop3A_79 = arith.constant 64 : i32
        %parallel_loop3A_80 = arith.muli %parallel_loop3A_78, %parallel_loop3A_79 : i32
        %parallel_loop3A_81 = arith.constant 0 : i32
        %parallel_loop3A_82 = arith.addi %parallel_loop3A_76, %parallel_loop3A_81 : i32
        %parallel_loop3A_83 = arith.index_cast %parallel_loop3A_82 : i32 to index
        %parallel_loop3A_84 = tpu.vector_load %arg5[%parallel_loop3A_83] {strides = array<i32>} : memref<1024xf32, #tpu.memory_space<vmem>>, vector<16xf32>,
        %parallel_loop3A_85 = arith.constant 2 : i32
        %parallel_loop3A_86 = arith.muli %parallel_loop3A_85, %parallel_loop3A_68 : i32
        %parallel_loop3A_87 = arith.constant 0 : i32
        %parallel_loop3A_88 = arith.index_cast %parallel_loop3A_87 : i32 to index
        %parallel_loop3A_89 = arith.index_cast %parallel_loop3A_86 : i32 to index
        %parallel_loop3A_90 = arith.constant 0 : index
        %parallel_loop3A_91 = tpu.vector_load %arg9[%parallel_loop3A_88, %parallel_loop3A_89, %parallel_loop3A_90] {strides = array<i32>} : memref<2x200x64xf32, #tpu.memory_space<vmem>>, vector<16xf32>,
        tpu.vector_store %arg9[%parallel_loop3A_88, %parallel_loop3A_89, %parallel_loop3A_90], %parallel_loop3A_84 {strides = array<i32>} : memref<2x200x64xf32, #tpu.memory_space<vmem>>, vector<16xf32>,
        %parallel_loop3A_92 = arith.constant 16 : i32
        %parallel_loop3A_93 = arith.addi %parallel_loop3A_76, %parallel_loop3A_92 : i32
        %parallel_loop3A_94 = arith.index_cast %parallel_loop3A_93 : i32 to index
        %parallel_loop3A_95 = tpu.vector_load %arg5[%parallel_loop3A_94] {strides = array<i32>} : memref<1024xf32, #tpu.memory_space<vmem>>, vector<16xf32>,
        %parallel_loop3A_96 = arith.constant 2 : i32
        %parallel_loop3A_97 = arith.muli %parallel_loop3A_96, %parallel_loop3A_68 : i32
        %parallel_loop3A_98 = arith.constant 0 : i32
        %parallel_loop3A_99 = arith.index_cast %parallel_loop3A_98 : i32 to index
        %parallel_loop3A_100 = arith.index_cast %parallel_loop3A_97 : i32 to index
        %parallel_loop3A_101 = arith.constant 16 : index
        %parallel_loop3A_102 = tpu.vector_load %arg9[%parallel_loop3A_99, %parallel_loop3A_100, %parallel_loop3A_101] {strides = array<i32>} : memref<2x200x64xf32, #tpu.memory_space<vmem>>, vector<16xf32>,
        tpu.vector_store %arg9[%parallel_loop3A_99, %parallel_loop3A_100, %parallel_loop3A_101], %parallel_loop3A_95 {strides = array<i32>} : memref<2x200x64xf32, #tpu.memory_space<vmem>>, vector<16xf32>,
        %parallel_loop3A_103 = arith.constant 32 : i32
        %parallel_loop3A_104 = arith.addi %parallel_loop3A_76, %parallel_loop3A_103 : i32
        %parallel_loop3A_105 = arith.index_cast %parallel_loop3A_104 : i32 to index
        %parallel_loop3A_106 = tpu.vector_load %arg5[%parallel_loop3A_105] {strides = array<i32>} : memref<1024xf32, #tpu.memory_space<vmem>>, vector<16xf32>,
        %parallel_loop3A_107 = arith.constant 2 : i32
        %parallel_loop3A_108 = arith.muli %parallel_loop3A_107, %parallel_loop3A_68 : i32
        %parallel_loop3A_109 = arith.constant 0 : i32
        %parallel_loop3A_110 = arith.index_cast %parallel_loop3A_109 : i32 to index
        %parallel_loop3A_111 = arith.index_cast %parallel_loop3A_108 : i32 to index
        %parallel_loop3A_112 = arith.constant 32 : index
        %parallel_loop3A_113 = tpu.vector_load %arg9[%parallel_loop3A_110, %parallel_loop3A_111, %parallel_loop3A_112] {strides = array<i32>} : memref<2x200x64xf32, #tpu.memory_space<vmem>>, vector<16xf32>,
        tpu.vector_store %arg9[%parallel_loop3A_110, %parallel_loop3A_111, %parallel_loop3A_112], %parallel_loop3A_106 {strides = array<i32>} : memref<2x200x64xf32, #tpu.memory_space<vmem>>, vector<16xf32>,
        %parallel_loop3A_114 = arith.constant 48 : i32
        %parallel_loop3A_115 = arith.addi %parallel_loop3A_76, %parallel_loop3A_114 : i32
        %parallel_loop3A_116 = arith.index_cast %parallel_loop3A_115 : i32 to index
        %parallel_loop3A_117 = tpu.vector_load %arg5[%parallel_loop3A_116] {strides = array<i32>} : memref<1024xf32, #tpu.memory_space<vmem>>, vector<16xf32>,
        %parallel_loop3A_118 = arith.constant 2 : i32
        %parallel_loop3A_119 = arith.muli %parallel_loop3A_118, %parallel_loop3A_68 : i32
        %parallel_loop3A_120 = arith.constant 0 : i32
        %parallel_loop3A_121 = arith.index_cast %parallel_loop3A_120 : i32 to index
        %parallel_loop3A_122 = arith.index_cast %parallel_loop3A_119 : i32 to index
        %parallel_loop3A_123 = arith.constant 48 : index
        %parallel_loop3A_124 = tpu.vector_load %arg9[%parallel_loop3A_121, %parallel_loop3A_122, %parallel_loop3A_123] {strides = array<i32>} : memref<2x200x64xf32, #tpu.memory_space<vmem>>, vector<16xf32>,
        tpu.vector_store %arg9[%parallel_loop3A_121, %parallel_loop3A_122, %parallel_loop3A_123], %parallel_loop3A_117 {strides = array<i32>} : memref<2x200x64xf32, #tpu.memory_space<vmem>>, vector<16xf32>,
        %parallel_loop3A_125 = arith.constant 0 : i32
        %parallel_loop3A_126 = arith.addi %parallel_loop3A_80, %parallel_loop3A_125 : i32
        %parallel_loop3A_127 = arith.index_cast %parallel_loop3A_126 : i32 to index
        %parallel_loop3A_128 = tpu.vector_load %arg5[%parallel_loop3A_127] {strides = array<i32>} : memref<1024xf32, #tpu.memory_space<vmem>>, vector<16xf32>,
        %parallel_loop3A_129 = arith.constant 2 : i32
        %parallel_loop3A_130 = arith.muli %parallel_loop3A_129, %parallel_loop3A_68 : i32
        %parallel_loop3A_131 = arith.constant 1 : i32
        %parallel_loop3A_132 = arith.addi %parallel_loop3A_130, %parallel_loop3A_131 : i32
        %parallel_loop3A_133 = arith.constant 0 : i32
        %parallel_loop3A_134 = arith.index_cast %parallel_loop3A_133 : i32 to index
        %parallel_loop3A_135 = arith.index_cast %parallel_loop3A_132 : i32 to index
        %parallel_loop3A_136 = arith.constant 0 : index
        %parallel_loop3A_137 = tpu.vector_load %arg9[%parallel_loop3A_134, %parallel_loop3A_135, %parallel_loop3A_136] {strides = array<i32>} : memref<2x200x64xf32, #tpu.memory_space<vmem>>, vector<16xf32>,
        tpu.vector_store %arg9[%parallel_loop3A_134, %parallel_loop3A_135, %parallel_loop3A_136], %parallel_loop3A_128 {strides = array<i32>} : memref<2x200x64xf32, #tpu.memory_space<vmem>>, vector<16xf32>,
        %parallel_loop3A_138 = arith.constant 16 : i32
        %parallel_loop3A_139 = arith.addi %parallel_loop3A_80, %parallel_loop3A_138 : i32
        %parallel_loop3A_140 = arith.index_cast %parallel_loop3A_139 : i32 to index
        %parallel_loop3A_141 = tpu.vector_load %arg5[%parallel_loop3A_140] {strides = array<i32>} : memref<1024xf32, #tpu.memory_space<vmem>>, vector<16xf32>,
        %parallel_loop3A_142 = arith.constant 2 : i32
        %parallel_loop3A_143 = arith.muli %parallel_loop3A_142, %parallel_loop3A_68 : i32
        %parallel_loop3A_144 = arith.constant 1 : i32
        %parallel_loop3A_145 = arith.addi %parallel_loop3A_143, %parallel_loop3A_144 : i32
        %parallel_loop3A_146 = arith.constant 0 : i32
        %parallel_loop3A_147 = arith.index_cast %parallel_loop3A_146 : i32 to index
        %parallel_loop3A_148 = arith.index_cast %parallel_loop3A_145 : i32 to index
        %parallel_loop3A_149 = arith.constant 16 : index
        %parallel_loop3A_150 = tpu.vector_load %arg9[%parallel_loop3A_147, %parallel_loop3A_148, %parallel_loop3A_149] {strides = array<i32>} : memref<2x200x64xf32, #tpu.memory_space<vmem>>, vector<16xf32>,
        tpu.vector_store %arg9[%parallel_loop3A_147, %parallel_loop3A_148, %parallel_loop3A_149], %parallel_loop3A_141 {strides = array<i32>} : memref<2x200x64xf32, #tpu.memory_space<vmem>>, vector<16xf32>,
        %parallel_loop3A_151 = arith.constant 32 : i32
        %parallel_loop3A_152 = arith.addi %parallel_loop3A_80, %parallel_loop3A_151 : i32
        %parallel_loop3A_153 = arith.index_cast %parallel_loop3A_152 : i32 to index
        %parallel_loop3A_154 = tpu.vector_load %arg5[%parallel_loop3A_153] {strides = array<i32>} : memref<1024xf32, #tpu.memory_space<vmem>>, vector<16xf32>,
        %parallel_loop3A_155 = arith.constant 2 : i32
        %parallel_loop3A_156 = arith.muli %parallel_loop3A_155, %parallel_loop3A_68 : i32
        %parallel_loop3A_157 = arith.constant 1 : i32
        %parallel_loop3A_158 = arith.addi %parallel_loop3A_156, %parallel_loop3A_157 : i32
        %parallel_loop3A_159 = arith.constant 0 : i32
        %parallel_loop3A_160 = arith.index_cast %parallel_loop3A_159 : i32 to index
        %parallel_loop3A_161 = arith.index_cast %parallel_loop3A_158 : i32 to index
        %parallel_loop3A_162 = arith.constant 32 : index
        %parallel_loop3A_163 = tpu.vector_load %arg9[%parallel_loop3A_160, %parallel_loop3A_161, %parallel_loop3A_162] {strides = array<i32>} : memref<2x200x64xf32, #tpu.memory_space<vmem>>, vector<16xf32>,
        tpu.vector_store %arg9[%parallel_loop3A_160, %parallel_loop3A_161, %parallel_loop3A_162], %parallel_loop3A_154 {strides = array<i32>} : memref<2x200x64xf32, #tpu.memory_space<vmem>>, vector<16xf32>,
        %parallel_loop3A_164 = arith.constant 48 : i32
        %parallel_loop3A_165 = arith.addi %parallel_loop3A_80, %parallel_loop3A_164 : i32
        %parallel_loop3A_166 = arith.index_cast %parallel_loop3A_165 : i32 to index
        %parallel_loop3A_167 = tpu.vector_load %arg5[%parallel_loop3A_166] {strides = array<i32>} : memref<1024xf32, #tpu.memory_space<vmem>>, vector<16xf32>,
        %parallel_loop3A_168 = arith.constant 2 : i32
        %parallel_loop3A_169 = arith.muli %parallel_loop3A_168, %parallel_loop3A_68 : i32
        %parallel_loop3A_170 = arith.constant 1 : i32
        %parallel_loop3A_171 = arith.addi %parallel_loop3A_169, %parallel_loop3A_170 : i32
        %parallel_loop3A_172 = arith.constant 0 : i32
        %parallel_loop3A_173 = arith.index_cast %parallel_loop3A_172 : i32 to index
        %parallel_loop3A_174 = arith.index_cast %parallel_loop3A_171 : i32 to index
        %parallel_loop3A_175 = arith.constant 48 : index
        %parallel_loop3A_176 = tpu.vector_load %arg9[%parallel_loop3A_173, %parallel_loop3A_174, %parallel_loop3A_175] {strides = array<i32>} : memref<2x200x64xf32, #tpu.memory_space<vmem>>, vector<16xf32>,
        tpu.vector_store %arg9[%parallel_loop3A_173, %parallel_loop3A_174, %parallel_loop3A_175], %parallel_loop3A_167 {strides = array<i32>} : memref<2x200x64xf32, #tpu.memory_space<vmem>>, vector<16xf32>,
        %parallel_loop3A_177 = arith.constant 300 : i32
        %parallel_loop3A_178 = arith.addi %parallel_loop3A_177, %parallel_loop3A_68 : i32
        %parallel_loop3A_179 = arith.index_cast %parallel_loop3A_178 : i32 to index
        %parallel_loop3A_180 = memref.load %arg7[%parallel_loop3A_179] : memref<400xi32, #tpu.memory_space<smem>>
        %parallel_loop3A_181 = arith.constant 4 : i32
        %parallel_loop3A_182 = arith.shrsi %parallel_loop3A_180, %parallel_loop3A_181 : i32
        %parallel_loop3A_183 = arith.constant 64 : i32
        %parallel_loop3A_184 = arith.muli %parallel_loop3A_182, %parallel_loop3A_183 : i32
        %parallel_loop3A_185 = arith.constant 15 : i32
        %parallel_loop3A_186 = arith.andi %parallel_loop3A_180, %parallel_loop3A_185 : i32
        %parallel_loop3A_187 = arith.constant 64 : i32
        %parallel_loop3A_188 = arith.muli %parallel_loop3A_186, %parallel_loop3A_187 : i32
        %parallel_loop3A_189 = arith.constant 0 : i32
        %parallel_loop3A_190 = arith.addi %parallel_loop3A_184, %parallel_loop3A_189 : i32
        %parallel_loop3A_191 = arith.index_cast %parallel_loop3A_190 : i32 to index
        %parallel_loop3A_192 = tpu.vector_load %arg5[%parallel_loop3A_191] {strides = array<i32>} : memref<1024xf32, #tpu.memory_space<vmem>>, vector<16xf32>,
        %parallel_loop3A_193 = arith.constant 2 : i32
        %parallel_loop3A_194 = arith.muli %parallel_loop3A_193, %parallel_loop3A_68 : i32
        %parallel_loop3A_195 = arith.constant 1 : i32
        %parallel_loop3A_196 = arith.index_cast %parallel_loop3A_195 : i32 to index
        %parallel_loop3A_197 = arith.index_cast %parallel_loop3A_194 : i32 to index
        %parallel_loop3A_198 = arith.constant 0 : index
        %parallel_loop3A_199 = tpu.vector_load %arg9[%parallel_loop3A_196, %parallel_loop3A_197, %parallel_loop3A_198] {strides = array<i32>} : memref<2x200x64xf32, #tpu.memory_space<vmem>>, vector<16xf32>,
        tpu.vector_store %arg9[%parallel_loop3A_196, %parallel_loop3A_197, %parallel_loop3A_198], %parallel_loop3A_192 {strides = array<i32>} : memref<2x200x64xf32, #tpu.memory_space<vmem>>, vector<16xf32>,
        %parallel_loop3A_200 = arith.constant 16 : i32
        %parallel_loop3A_201 = arith.addi %parallel_loop3A_184, %parallel_loop3A_200 : i32
        %parallel_loop3A_202 = arith.index_cast %parallel_loop3A_201 : i32 to index
        %parallel_loop3A_203 = tpu.vector_load %arg5[%parallel_loop3A_202] {strides = array<i32>} : memref<1024xf32, #tpu.memory_space<vmem>>, vector<16xf32>,
        %parallel_loop3A_204 = arith.constant 2 : i32
        %parallel_loop3A_205 = arith.muli %parallel_loop3A_204, %parallel_loop3A_68 : i32
        %parallel_loop3A_206 = arith.constant 1 : i32
        %parallel_loop3A_207 = arith.index_cast %parallel_loop3A_206 : i32 to index
        %parallel_loop3A_208 = arith.index_cast %parallel_loop3A_205 : i32 to index
        %parallel_loop3A_209 = arith.constant 16 : index
        %parallel_loop3A_210 = tpu.vector_load %arg9[%parallel_loop3A_207, %parallel_loop3A_208, %parallel_loop3A_209] {strides = array<i32>} : memref<2x200x64xf32, #tpu.memory_space<vmem>>, vector<16xf32>,
        tpu.vector_store %arg9[%parallel_loop3A_207, %parallel_loop3A_208, %parallel_loop3A_209], %parallel_loop3A_203 {strides = array<i32>} : memref<2x200x64xf32, #tpu.memory_space<vmem>>, vector<16xf32>,
        %parallel_loop3A_211 = arith.constant 32 : i32
        %parallel_loop3A_212 = arith.addi %parallel_loop3A_184, %parallel_loop3A_211 : i32
        %parallel_loop3A_213 = arith.index_cast %parallel_loop3A_212 : i32 to index
        %parallel_loop3A_214 = tpu.vector_load %arg5[%parallel_loop3A_213] {strides = array<i32>} : memref<1024xf32, #tpu.memory_space<vmem>>, vector<16xf32>,
        %parallel_loop3A_215 = arith.constant 2 : i32
        %parallel_loop3A_216 = arith.muli %parallel_loop3A_215, %parallel_loop3A_68 : i32
        %parallel_loop3A_217 = arith.constant 1 : i32
        %parallel_loop3A_218 = arith.index_cast %parallel_loop3A_217 : i32 to index
        %parallel_loop3A_219 = arith.index_cast %parallel_loop3A_216 : i32 to index
        %parallel_loop3A_220 = arith.constant 32 : index
        %parallel_loop3A_221 = tpu.vector_load %arg9[%parallel_loop3A_218, %parallel_loop3A_219, %parallel_loop3A_220] {strides = array<i32>} : memref<2x200x64xf32, #tpu.memory_space<vmem>>, vector<16xf32>,
        tpu.vector_store %arg9[%parallel_loop3A_218, %parallel_loop3A_219, %parallel_loop3A_220], %parallel_loop3A_214 {strides = array<i32>} : memref<2x200x64xf32, #tpu.memory_space<vmem>>, vector<16xf32>,
        %parallel_loop3A_222 = arith.constant 48 : i32
        %parallel_loop3A_223 = arith.addi %parallel_loop3A_184, %parallel_loop3A_222 : i32
        %parallel_loop3A_224 = arith.index_cast %parallel_loop3A_223 : i32 to index
        %parallel_loop3A_225 = tpu.vector_load %arg5[%parallel_loop3A_224] {strides = array<i32>} : memref<1024xf32, #tpu.memory_space<vmem>>, vector<16xf32>,
        %parallel_loop3A_226 = arith.constant 2 : i32
        %parallel_loop3A_227 = arith.muli %parallel_loop3A_226, %parallel_loop3A_68 : i32
        %parallel_loop3A_228 = arith.constant 1 : i32
        %parallel_loop3A_229 = arith.index_cast %parallel_loop3A_228 : i32 to index
        %parallel_loop3A_230 = arith.index_cast %parallel_loop3A_227 : i32 to index
        %parallel_loop3A_231 = arith.constant 48 : index
        %parallel_loop3A_232 = tpu.vector_load %arg9[%parallel_loop3A_229, %parallel_loop3A_230, %parallel_loop3A_231] {strides = array<i32>} : memref<2x200x64xf32, #tpu.memory_space<vmem>>, vector<16xf32>,
        tpu.vector_store %arg9[%parallel_loop3A_229, %parallel_loop3A_230, %parallel_loop3A_231], %parallel_loop3A_225 {strides = array<i32>} : memref<2x200x64xf32, #tpu.memory_space<vmem>>, vector<16xf32>,
        %parallel_loop3A_233 = arith.constant 0 : i32
        %parallel_loop3A_234 = arith.addi %parallel_loop3A_188, %parallel_loop3A_233 : i32
        %parallel_loop3A_235 = arith.index_cast %parallel_loop3A_234 : i32 to index
        %parallel_loop3A_236 = tpu.vector_load %arg5[%parallel_loop3A_235] {strides = array<i32>} : memref<1024xf32, #tpu.memory_space<vmem>>, vector<16xf32>,
        %parallel_loop3A_237 = arith.constant 2 : i32
        %parallel_loop3A_238 = arith.muli %parallel_loop3A_237, %parallel_loop3A_68 : i32
        %parallel_loop3A_239 = arith.constant 1 : i32
        %parallel_loop3A_240 = arith.addi %parallel_loop3A_238, %parallel_loop3A_239 : i32
        %parallel_loop3A_241 = arith.constant 1 : i32
        %parallel_loop3A_242 = arith.index_cast %parallel_loop3A_241 : i32 to index
        %parallel_loop3A_243 = arith.index_cast %parallel_loop3A_240 : i32 to index
        %parallel_loop3A_244 = arith.constant 0 : index
        %parallel_loop3A_245 = tpu.vector_load %arg9[%parallel_loop3A_242, %parallel_loop3A_243, %parallel_loop3A_244] {strides = array<i32>} : memref<2x200x64xf32, #tpu.memory_space<vmem>>, vector<16xf32>,
        tpu.vector_store %arg9[%parallel_loop3A_242, %parallel_loop3A_243, %parallel_loop3A_244], %parallel_loop3A_236 {strides = array<i32>} : memref<2x200x64xf32, #tpu.memory_space<vmem>>, vector<16xf32>,
        %parallel_loop3A_246 = arith.constant 16 : i32
        %parallel_loop3A_247 = arith.addi %parallel_loop3A_188, %parallel_loop3A_246 : i32
        %parallel_loop3A_248 = arith.index_cast %parallel_loop3A_247 : i32 to index
        %parallel_loop3A_249 = tpu.vector_load %arg5[%parallel_loop3A_248] {strides = array<i32>} : memref<1024xf32, #tpu.memory_space<vmem>>, vector<16xf32>,
        %parallel_loop3A_250 = arith.constant 2 : i32
        %parallel_loop3A_251 = arith.muli %parallel_loop3A_250, %parallel_loop3A_68 : i32
        %parallel_loop3A_252 = arith.constant 1 : i32
        %parallel_loop3A_253 = arith.addi %parallel_loop3A_251, %parallel_loop3A_252 : i32
        %parallel_loop3A_254 = arith.constant 1 : i32
        %parallel_loop3A_255 = arith.index_cast %parallel_loop3A_254 : i32 to index
        %parallel_loop3A_256 = arith.index_cast %parallel_loop3A_253 : i32 to index
        %parallel_loop3A_257 = arith.constant 16 : index
        %parallel_loop3A_258 = tpu.vector_load %arg9[%parallel_loop3A_255, %parallel_loop3A_256, %parallel_loop3A_257] {strides = array<i32>} : memref<2x200x64xf32, #tpu.memory_space<vmem>>, vector<16xf32>,
        tpu.vector_store %arg9[%parallel_loop3A_255, %parallel_loop3A_256, %parallel_loop3A_257], %parallel_loop3A_249 {strides = array<i32>} : memref<2x200x64xf32, #tpu.memory_space<vmem>>, vector<16xf32>,
        %parallel_loop3A_259 = arith.constant 32 : i32
        %parallel_loop3A_260 = arith.addi %parallel_loop3A_188, %parallel_loop3A_259 : i32
        %parallel_loop3A_261 = arith.index_cast %parallel_loop3A_260 : i32 to index
        %parallel_loop3A_262 = tpu.vector_load %arg5[%parallel_loop3A_261] {strides = array<i32>} : memref<1024xf32, #tpu.memory_space<vmem>>, vector<16xf32>,
        %parallel_loop3A_263 = arith.constant 2 : i32
        %parallel_loop3A_264 = arith.muli %parallel_loop3A_263, %parallel_loop3A_68 : i32
        %parallel_loop3A_265 = arith.constant 1 : i32
        %parallel_loop3A_266 = arith.addi %parallel_loop3A_264, %parallel_loop3A_265 : i32
        %parallel_loop3A_267 = arith.constant 1 : i32
        %parallel_loop3A_268 = arith.index_cast %parallel_loop3A_267 : i32 to index
        %parallel_loop3A_269 = arith.index_cast %parallel_loop3A_266 : i32 to index
        %parallel_loop3A_270 = arith.constant 32 : index
        %parallel_loop3A_271 = tpu.vector_load %arg9[%parallel_loop3A_268, %parallel_loop3A_269, %parallel_loop3A_270] {strides = array<i32>} : memref<2x200x64xf32, #tpu.memory_space<vmem>>, vector<16xf32>,
        tpu.vector_store %arg9[%parallel_loop3A_268, %parallel_loop3A_269, %parallel_loop3A_270], %parallel_loop3A_262 {strides = array<i32>} : memref<2x200x64xf32, #tpu.memory_space<vmem>>, vector<16xf32>,
        %parallel_loop3A_272 = arith.constant 48 : i32
        %parallel_loop3A_273 = arith.addi %parallel_loop3A_188, %parallel_loop3A_272 : i32
        %parallel_loop3A_274 = arith.index_cast %parallel_loop3A_273 : i32 to index
        %parallel_loop3A_275 = tpu.vector_load %arg5[%parallel_loop3A_274] {strides = array<i32>} : memref<1024xf32, #tpu.memory_space<vmem>>, vector<16xf32>,
        %parallel_loop3A_276 = arith.constant 2 : i32
        %parallel_loop3A_277 = arith.muli %parallel_loop3A_276, %parallel_loop3A_68 : i32
        %parallel_loop3A_278 = arith.constant 1 : i32
        %parallel_loop3A_279 = arith.addi %parallel_loop3A_277, %parallel_loop3A_278 : i32
        %parallel_loop3A_280 = arith.constant 1 : i32
        %parallel_loop3A_281 = arith.index_cast %parallel_loop3A_280 : i32 to index
        %parallel_loop3A_282 = arith.index_cast %parallel_loop3A_279 : i32 to index
        %parallel_loop3A_283 = arith.constant 48 : index
        %parallel_loop3A_284 = tpu.vector_load %arg9[%parallel_loop3A_281, %parallel_loop3A_282, %parallel_loop3A_283] {strides = array<i32>} : memref<2x200x64xf32, #tpu.memory_space<vmem>>, vector<16xf32>,
        tpu.vector_store %arg9[%parallel_loop3A_281, %parallel_loop3A_282, %parallel_loop3A_283], %parallel_loop3A_275 {strides = array<i32>} : memref<2x200x64xf32, #tpu.memory_space<vmem>>, vector<16xf32>,
      } {sc.loop_unroll_factor = 2 : i64, sc.parallel_access}
      %mul3A_59 = arith.constant 2 : i32
      %mul3A_60 = arith.muli %add3A_50, %mul3A_59 : i32
      %add3A_61 = arith.addi %multiple_of3A, %mul3A_60 : i32
      %dma_start3A_62 = arith.constant 0 : i32
      %dma_start3A_63 = arith.constant 0 : i32
      %dma_start3A_64 = tpu.memref_slice %arg4[%add3A_61, %dma_start3A_62, %dma_start3A_63] : memref<4096x200x64xf32, #tpu.memory_space<hbm>> -> memref<2x200x64xf32, #tpu.memory_space<hbm>>
      %dma_start3A_65 = arith.constant 0 : i32
      %dma_start3A_66 = arith.constant 0 : i32
      %dma_start3A_67 = tpu.memref_slice %arg4[%add3A_61, %dma_start3A_65, %dma_start3A_66] : memref<4096x200x64xf32, #tpu.memory_space<hbm>> -> memref<2x200x64xf32, #tpu.memory_space<hbm>>
      tpu.enqueue_dma source(%arg9 : memref<2x200x64xf32, #tpu.memory_space<vmem>>) target(%dma_start3A_67 : memref<2x200x64xf32, #tpu.memory_space<hbm>>) target_semaphore(%arg11 : memref<!tpu.dma_semaphore, #tpu.memory_space<semaphore_mem>>)
    }
    %scan3A_9 = arith.constant 32 : i32
    %dma_wait3A = arith.constant 0 : i32
    %dma_wait3A_10 = arith.constant 0 : i32
    %dma_wait3A_11 = tpu.memref_slice %arg4[%multiple_of3A, %dma_wait3A, %dma_wait3A_10] : memref<4096x200x64xf32, #tpu.memory_space<hbm>> -> memref<2x200x64xf32, #tpu.memory_space<hbm>>
    %dma_wait3A_12 = arith.constant 0 : i32
    %dma_wait3A_13 = arith.constant 0 : i32
    %dma_wait3A_14 = tpu.memref_slice %arg4[%multiple_of3A, %dma_wait3A_12, %dma_wait3A_13] : memref<4096x200x64xf32, #tpu.memory_space<hbm>> -> memref<2x200x64xf32, #tpu.memory_space<hbm>>
    tpu.wait_dma2 semaphore(%arg10 : memref<!tpu.dma_semaphore, #tpu.memory_space<semaphore_mem>>) src(%arg8 : memref<2x200x64xf32, #tpu.memory_space<vmem>>) dst(%dma_wait3A_14 : memref<2x200x64xf32, #tpu.memory_space<hbm>>)
    %dma_wait3A_15 = arith.constant 0 : i32
    %dma_wait3A_16 = arith.constant 0 : i32
    %dma_wait3A_17 = tpu.memref_slice %arg4[%multiple_of3A, %dma_wait3A_15, %dma_wait3A_16] : memref<4096x200x64xf32, #tpu.memory_space<hbm>> -> memref<2x200x64xf32, #tpu.memory_space<hbm>>
    %dma_wait3A_18 = arith.constant 0 : i32
    %dma_wait3A_19 = arith.constant 0 : i32
    %dma_wait3A_20 = tpu.memref_slice %arg4[%multiple_of3A, %dma_wait3A_18, %dma_wait3A_19] : memref<4096x200x64xf32, #tpu.memory_space<hbm>> -> memref<2x200x64xf32, #tpu.memory_space<hbm>>
    tpu.wait_dma2 semaphore(%arg11 : memref<!tpu.dma_semaphore, #tpu.memory_space<semaphore_mem>>) src(%arg9 : memref<2x200x64xf32, #tpu.memory_space<vmem>>) dst(%dma_wait3A_20 : memref<2x200x64xf32, #tpu.memory_space<hbm>>)
    return
  }
}

module attributes {stable_mosaic.version = 14 : i64} {
  func.func @_table_body(%arg0: memref<16x64xf32, #tpu.memory_space<vmem>>, %arg1: memref<64x64xf32, #tpu.memory_space<vmem>>, %arg2: memref<1x64xf32, #tpu.memory_space<vmem>>, %arg3: memref<1x64xf32, #tpu.memory_space<vmem>>, %arg4: memref<1x64xf32, #tpu.memory_space<vmem>>, %arg5: memref<16x64xf32, #tpu.memory_space<vmem>>) attributes {dimension_semantics = [], scalar_prefetch = 0 : i64, scratch_operands = 0 : i64, tpu.core_type = #tpu.core_type<tc>} {
    %get3A = arith.constant 0 : index
    %get3A_0 = arith.constant 0 : index
    %get3A_1 = vector.load %arg0[%get3A, %get3A_0] : memref<16x64xf32, #tpu.memory_space<vmem>>, vector<16x64xf32>
    %get3A_2 = arith.constant 0 : index
    %get3A_3 = arith.constant 0 : index
    %get3A_4 = vector.load %arg1[%get3A_2, %get3A_3] : memref<64x64xf32, #tpu.memory_space<vmem>>, vector<64x64xf32>
    %dot_general3A = arith.constant dense<0.000000e+00> : vector<16x64xf32>
    %dot_general3A_5 = tpu.matmul %get3A_1, %get3A_4, %dot_general3A {dimension_numbers = #tpu.dot_dimension_numbers<[1], [1], [0], [0], [0, 0, 1, 0], [], []>, transpose_lhs_hint = false} : vector<16x64xf32>, vector<64x64xf32>, vector<16x64xf32> -> vector<16x64xf32>
    %get3A_6 = arith.constant 0 : index
    %get3A_7 = arith.constant 0 : index
    %get3A_8 = vector.load %arg2[%get3A_6, %get3A_7] : memref<1x64xf32, #tpu.memory_space<vmem>>, vector<1x64xf32>
    %add3A = vector.broadcast %get3A_8 : vector<1x64xf32> to vector<16x64xf32>
    %add3A_9 = arith.addf %dot_general3A_5, %add3A : vector<16x64xf32>
    %reduce_sum3A = arith.constant dense<0.000000e+00> : vector<16xf32>
    %reduce_sum3A_10 = vector.multi_reduction <add>, %add3A_9, %reduce_sum3A [1] : vector<16x64xf32> to vector<16xf32>
    %broadcast_in_dim3A = vector.shape_cast %reduce_sum3A_10 : vector<16xf32> to vector<16x1xf32>
    %div3A = arith.constant 6.400000e+01 : f32
    %div3A_11 = vector.broadcast %div3A : f32 to vector<16x1xf32>
    %div3A_12 = arith.divf %broadcast_in_dim3A, %div3A_11 : vector<16x1xf32>
    %sub3A = vector.broadcast %div3A_12 : vector<16x1xf32> to vector<16x64xf32>
    %sub3A_13 = arith.subf %add3A_9, %sub3A : vector<16x64xf32>
    %mul3A = arith.mulf %sub3A_13, %sub3A_13 : vector<16x64xf32>
    %reduce_sum3A_14 = arith.constant dense<0.000000e+00> : vector<16xf32>
    %reduce_sum3A_15 = vector.multi_reduction <add>, %mul3A, %reduce_sum3A_14 [1] : vector<16x64xf32> to vector<16xf32>
    %broadcast_in_dim3A_16 = vector.shape_cast %reduce_sum3A_15 : vector<16xf32> to vector<16x1xf32>
    %div3A_17 = arith.constant 6.400000e+01 : f32
    %div3A_18 = vector.broadcast %div3A_17 : f32 to vector<16x1xf32>
    %div3A_19 = arith.divf %broadcast_in_dim3A_16, %div3A_18 : vector<16x1xf32>
    %add3A_20 = arith.constant 9.99999974E-6 : f32
    %add3A_21 = vector.broadcast %add3A_20 : f32 to vector<16x1xf32>
    %add3A_22 = arith.addf %div3A_19, %add3A_21 : vector<16x1xf32>
    %rsqrt3A = math.rsqrt %add3A_22 : vector<16x1xf32>
    %mul3A_23 = vector.broadcast %rsqrt3A : vector<16x1xf32> to vector<16x64xf32>
    %mul3A_24 = arith.mulf %sub3A_13, %mul3A_23 : vector<16x64xf32>
    %get3A_25 = arith.constant 0 : index
    %get3A_26 = arith.constant 0 : index
    %get3A_27 = vector.load %arg3[%get3A_25, %get3A_26] : memref<1x64xf32, #tpu.memory_space<vmem>>, vector<1x64xf32>
    %mul3A_28 = vector.broadcast %get3A_27 : vector<1x64xf32> to vector<16x64xf32>
    %mul3A_29 = arith.mulf %mul3A_24, %mul3A_28 : vector<16x64xf32>
    %get3A_30 = arith.constant 0 : index
    %get3A_31 = arith.constant 0 : index
    %get3A_32 = vector.load %arg4[%get3A_30, %get3A_31] : memref<1x64xf32, #tpu.memory_space<vmem>>, vector<1x64xf32>
    %add3A_33 = vector.broadcast %get3A_32 : vector<1x64xf32> to vector<16x64xf32>
    %add3A_34 = arith.addf %mul3A_29, %add3A_33 : vector<16x64xf32>
    %swap3A = arith.constant 0 : index
    %swap3A_35 = arith.constant 0 : index
    %swap3A_36 = vector.load %arg5[%swap3A, %swap3A_35] : memref<16x64xf32, #tpu.memory_space<vmem>>, vector<16x64xf32>
    tpu.vector_store %arg5[%swap3A, %swap3A_35], %add3A_34 {strides = array<i32>} : memref<16x64xf32, #tpu.memory_space<vmem>>, vector<16x64xf32>,
    return
  }
}

</mosaic_0001>

<sc_bundles>
// kernel: kernel.4.cloned.1.call-start
scs
__scs_entry_jumppad:
0x0: {  	(pc) =	sbr.rel $0x88, $3  }
0x1: {  	(tag) =	ssettag $0x0;
	lr =	simm.s32 $0x1  }
0x2: {  	[smem:$0x3F9B] =	sst lr;
	_ =	strace $0xD0000000  }
0x3: {  	_ = 	snop  }
0x4: {  	_ = 	snop  }
0x5: {  	_ = 	snop  }
0x6: {  	_ = 	snop  }
0x7: {  	_ = 	snop  }
__scs_overlays_trampoline_lowered:
0x8: {  	[smem:$0x3FAA] =	sst s0  }
0x9: {  	[smem:$0x3FAB] =	sst s1  }
0xa: {  	[smem:$0x3FAC] =	sst s2  }
0xb: {  	[smem:$0x3FAD] =	sst s3  }
0xc: {  	[smem:$0x3FAE] =	sst s4  }
0xd: {  	[smem:$0x3FAF] =	sst s5  }
0xe: {  	[smem:$0x3FB0] =	sst s6  }
0xf: {  	[smem:$0x3FB1] =	sst s7  }
0x10: {  	[smem:$0x3FB2] =	sst s8  }
0x11: {  	[smem:$0x3FB3] =	sst s9;
	s0 =	simm.s32 @!p0 $0x0  }
0x12: {  	s1 =	sld [smem:$0x3F99];
	s0 =	simm.s32 @p0 $0x1  }
0x13: {  	[smem:$0x3FB4] =	sst s0;
	s0 =	simm.s32 @!p1 $0x0  }
0x14: {  	s2 =	sld [smem:$0x3F98];
	s0 =	simm.s32 @p1 $0x1  }
0x15: {  	[smem:$0x3FB5] =	sst s0;
	s0 =	simm.s32 @!p2 $0x0  }
0x16: {  	s3 =	sld [smem:$0x3FDB];
	s0 =	simm.s32 @p2 $0x1  }
0x17: {  	s4 =	simm.s32 $0x1BF5;
	[smem:$0x3FB7] =	sst s0  }
0x18: {  	s0 =	sld [smem:$0x3F9A];
	_ =	swait.ge [sflag:s4], $0x0  }
0x19: {  	s7 =	sld [smem:$0x3F9B]  }
0x1a: {  	s8 =	sadd.s32 $0xFFFFE003, lr  }
0x1b: {  	s9 =	sadd.s32 $0xFFFFFEF7, lr;
	s5 =	simm.s32 $0xFFFFFFFF;
	p2 =	slt.u32 s8, $0xFFFFF086  }
0x1c: {  	p1 =	slt.u32 s9, $0xF7A;
	s5 =	simm.s32 @!p2 $0x0  }
0x1d: {  	s5 =	simm.s32 @p1 $0x1;
	p0 =	seq.s32 s7, s2  }
0x1e: {  	s7 =	smul.u32 @!p0 $0xF7A, s2;
	p2 =	seq.s32 @!p0 s5, $0x0  }
0x1f: {  	s9 =	smul.u32 $0xF7A, s1;
	s8 =	simm.s32 @!p0 $0x1BF5;
	p2 =	por !p2, p0  }
0x20: {  	[sflag:s8] =	ssyncset.s32 @!p0 $0xFFFFF086;
	s6 =	sadd.s32 @!p0 s3, s7;
	s7 =	simm.s32 @!p0 $0x108  }
0x21: {  	s3 =	sadd.s32 s3, s9;
	s6 =	sadd.s32 @!p0 $0x88, s6;
	s7 =	simm.s32 @p2 $0x1082  }
0x22: {  	[simem:s7], [sflag:s8] =	dma.local @!p0 [hbm:s6], $0xF7A  }
0x23: {  	s9 =	sor.u32 $0xD0000000, s2;
	s6 =	simm.s32 $0x108;
	_ =	swait.ge @!p0 [sflag:s8], $0x0  }
0x24: {  	s3 =	sadd.s32 $0x88, s3;
	s6 =	simm.s32 @!p1 $0x1082;
	[sflag:s4] =	ssyncset.s32 $0xFFFFF086  }
0x25: {  	[simem:s6], [sflag:s4] =	dma.local [hbm:s3], $0xF7A  }
0x26: {  	[smem:$0x3F9B] =	sst s1;
	(tag) =	ssettag s2;
	_ =	strace s9  }
0x27: {  	s1 =	sld [smem:$0x3FAB]  }
0x28: {  	s2 =	sld [smem:$0x3FAC]  }
0x29: {  	s4 =	sld [smem:$0x3FAE]  }
0x2a: {  	p0 =	seq.s32 s5, $0x0;
	s5 =	sld [smem:$0x3FAF]  }
0x2b: {  	s6 =	sld [smem:$0x3FB0]  }
0x2c: {  	s7 =	sld [smem:$0x3FB1]  }
0x2d: {  	s3 =	simm.s32 $0x108;
	s8 =	sld [smem:$0x3FB2]  }
0x2e: {  	s3 =	simm.s32 @!p0 $0x1082;
	s9 =	sld [smem:$0x3FB3]  }
0x2f: {  	lr =	sadd.s32 s0, s3;
	s0 =	sld [smem:$0x3FAA]  }
0x30: {  	s3 =	sld [smem:$0x3FAD]  }
0x31: {  	[smem:$0x3FB6] =	sst s10  }
0x32: {  	s10 =	sld [smem:$0x3FB4];
	_ =	sdelay $0x3  }
0x33: {  	p0 =	seq.s32 s10, $0x1;
	s10 =	sld [smem:$0x3FB6];
	_ =	sdelay $0x3  }
0x34: {  	[smem:$0x3FB6] =	sst s10  }
0x35: {  	s10 =	sld [smem:$0x3FB5];
	_ =	sdelay $0x3  }
0x36: {  	p1 =	seq.s32 s10, $0x1;
	s10 =	sld [smem:$0x3FB6];
	_ =	sdelay $0x3  }
0x37: {  	[smem:$0x3FB6] =	sst s10  }
0x38: {  	s10 =	sld [smem:$0x3FB7]  }
0x39: {  	_ = 	snop;
	(pc) =	sbr.ind lr, $3  }
0x3a: {  	_ = 	snop  }
0x3b: {  	_ = 	snop  }
0x3c: {  	p2 =	seq.s32 s10, $0x1;
	s10 =	sld [smem:$0x3FB6]  }
0x3d: {  	_ =	shalt  }
0x3e: {  	_ =	shalt  }
0x3f: {  	_ =	shalt  }
0x40: {  	_ =	shalt  }
0x41: {  	_ =	shalt  }
0x42: {  	_ =	shalt  }
0x43: {  	_ =	shalt  }
0x44: {  	_ =	shalt  }
0x45: {  	_ =	shalt  }
0x46: {  	_ =	shalt  }
0x47: {  	_ =	shalt  }
0x48: {  	_ =	shalt  }
0x49: {  	_ =	shalt  }
0x4a: {  	_ =	shalt  }
0x4b: {  	_ =	shalt  }
0x4c: {  	_ =	shalt  }
0x4d: {  	_ =	shalt  }
0x4e: {  	_ =	shalt  }
0x4f: {  	_ =	shalt  }
0x50: {  	_ =	shalt  }
0x51: {  	_ =	shalt  }
0x52: {  	_ =	shalt  }
0x53: {  	_ =	shalt  }
0x54: {  	_ =	shalt  }
0x55: {  	_ =	shalt  }
0x56: {  	_ =	shalt  }
0x57: {  	_ =	shalt  }
0x58: {  	_ =	shalt  }
0x59: {  	_ =	shalt  }
0x5a: {  	_ =	shalt  }
0x5b: {  	_ =	shalt  }
0x5c: {  	_ =	shalt  }
0x5d: {  	_ =	shalt  }
0x5e: {  	_ =	shalt  }
0x5f: {  	_ =	shalt  }
0x60: {  	_ =	shalt  }
0x61: {  	_ =	shalt  }
0x62: {  	_ =	shalt  }
0x63: {  	_ =	shalt  }
0x64: {  	_ =	shalt  }
0x65: {  	_ =	shalt  }
0x66: {  	_ =	shalt  }
0x67: {  	_ =	shalt  }
0x68: {  	_ =	shalt  }
0x69: {  	_ =	shalt  }
0x6a: {  	_ =	shalt  }
0x6b: {  	_ =	shalt  }
0x6c: {  	_ =	shalt  }
0x6d: {  	_ =	shalt  }
0x6e: {  	_ =	shalt  }
0x6f: {  	_ =	shalt  }
0x70: {  	_ =	shalt  }
0x71: {  	_ =	shalt  }
0x72: {  	_ =	shalt  }
0x73: {  	_ =	shalt  }
0x74: {  	_ =	shalt  }
0x75: {  	_ =	shalt  }
0x76: {  	_ =	shalt  }
0x77: {  	_ =	shalt  }
0x78: {  	_ =	shalt  }
0x79: {  	_ =	shalt  }
0x7a: {  	_ =	shalt  }
0x7b: {  	_ =	shalt  }
0x7c: {  	_ =	shalt  }
0x7d: {  	_ =	shalt  }
0x7e: {  	_ =	shalt  }
0x7f: {  	_ =	shalt  }
0x80: {  	_ =	shalt  }
0x81: {  	_ =	shalt  }
0x82: {  	_ =	shalt  }
0x83: {  	_ =	shalt  }
0x84: {  	_ =	shalt  }
0x85: {  	_ =	shalt  }
0x86: {  	_ =	shalt  }
0x87: {  	_ =	shalt  }
.Lfunc_end0:
.L_simem_size_0:
called_computation.1_lowered:
.L_overlay_start_0:
0x88: {  	s2 =	sld [smem:$0x3FD9]  }
0x89: {  	s3 =	sld [smem:$0x3FFE];
	_ =	sdelay $0x1  }
0x8a: {  	s1 =	srdreg.scid  }
0x8b: {  	s0 =	sand.u32 $0x1, s1  }
0x8c: {  	s17 =	sshll.u32 s0, $0xA;
	s2 =	sadd.s32 s3, s2  }
0x8d: {  	s2 =	sadd.s32 s2, s17  }
0x8e: {  	[smem:$0x3FC2] =	sst s2  }
0x8f: {  	_ = 	snop  }
0x90: {  	s2 =	sld [smem:$0x3FD0];
	(tm) =	ssettm $0x1  }
0x91: {  	s18 =	sld [smem:$0x3FFB];
	_ =	sdelay $0x3  }
0x92: {  	_ =	strace s18  }
0x93: {  	s3 =	sld [smem:$0x3FFC];
	_ =	sdelay $0x3  }
0x94: {  	_ =	strace s3  }
0x95: {  	s3 =	sld [smem:$0x3FFD];
	_ =	sdelay $0x3  }
0x96: {  	_ =	strace s3  }
0x97: {  	_ =	strace $0x8FFFFFFF  }
0x98: {  	s19 =	sld [smem:$0x3FDB];
	_ =	sdelay $0x1  }
0x99: {  	s4 =	simm.s32 $_scs_section_size  }
0x9a: {  	s5 =	simm.s32 $_size__tile_overlayer_lowered;
	s6 =	simm.s32 $_tile_overlayer_lowered  }
0x9b: {  	s22 =	simm.s32 $0x1BFF;
	s21 =	sshll.u32 s6, $0x1;
	s3 =	sadd.s32 s4, s19  }
0x9c: {  	s7 =	simm.s32 $0x0;
	s20 =	sshll.u32 s5, $0x1;
	s5 =	sadd.s32 s21, s3  }
0x9d: {  	[timem:s7], [sflag:s22] =	dma.local [hbm:s5], s20  }
0x9e: {  	_ =	swait.ge [sflag:s22], s20  }
0x9f: {  	s4 =	ssub.s32 $0x0, s20;
	[sflag:s22] =	ssyncset.done $0x0  }
0xa0: {  	[sflag:s22] =	ssyncadd.s32 s4;
	_ =	sdelay $0x1  }
0xa1: {  	s23 =	simm.s32 $0x1B8B  }
0xa2: {  	_ =	swait.ge [sflag:s23], $0x1  }
0xa3: {  	[sflag:s23] =	ssyncset.done $0x0  }
0xa4: {  	s25 =	simm.s32 $0x1B8E;
	s24 =	sld [smem:$0x3FFE];
	[sflag:s23] =	ssyncadd.s32 $0xFFFFFFFF  }
0xa5: {  	s26 =	simm.s32 $execute0_lowered;
	[smem:$0x3FD2] =	sst s25  }
0xa6: {  	s5 =	sshll.u32 s26, $0x1;
	_ =	strace $0x80000046;
	[dreg:$0x1] =	wrdreg $0xFFFFFFFF  }
0xa7: {  	s28 =	simm.s32 $_size_execute0_lowered;
	s3 =	sadd.s32 s3, s5;
	[dreg:$0x0] =	wrdreg $0x0  }
0xa8: {  	s5 =	sshll.u32 s28, $0x1;
	[dreg:$0x2] =	wrdreg s3  }
0xa9: {  	[dreg:$0x3] =	wrdreg s5  }
0xaa: {  	[dreg:$0x4] =	wrdreg $0xC0  }
0xab: {  	_ =	task [dreg:s7], $0x5FFFF  }
0xac: {  	[dreg:$0x1] =	wrdreg $0xFFFFFFFF  }
0xad: {  	[dreg:$0x0] =	wrdreg $0x60  }
0xae: {  	[dreg:$0x2] =	wrdreg s24  }
0xaf: {  	[dreg:$0x3] =	wrdreg s2  }
0xb0: {  	[dreg:$0x4] =	wrdreg $0x4000  }
0xb1: {  	[dreg:$0x5] =	wrdreg $0x9  }
0xb2: {  	_ =	task.clear_ibuf [dreg:s7], $0x6FFFF;
	_ =	strace $0x90000046  }
0xb3: {  	s29 =	simm.s32 $0x9;
	_ =	strace $0x80000048  }
0xb4: {  	_ =	swait.ge [sflag:s29], $0x1  }
0xb5: {  	[sflag:s29] =	ssyncadd.s32 $0xFFFFFFFF  }
0xb6: {  	_ =	strace $0x90000048  }
0xb7: {  	_ =	sfence  }
0xb8: {  	s30 =	sld [smem:$0x0];
	_ =	sdelay $0x2  }
0xb9: {  	s31 =	sshll.u32 s1, $0xD;
	s1 =	sshrl.u32 s1, $0x2  }
0xba: {  	s3 =	sand.u32 $0x4000, s31;
	s1 =	sadd.s32 s1, s30  }
0xbb: {  	s0 =	sor.u32 s3, s0;
	s1 =	sshll.u32 s1, $0x11  }
0xbc: {  	s0 =	sor.u32 s1, s0  }
0xbd: {  	s0 =	sadd.s32 $0x8F2B, s0  }
0xbe: {  	[sflag:s0] =	ssyncadd.remote.s32 $0x1  }
0xbf: {  	_ =	sfence.sel $0xFFFF  }
0xc0: {  	[dreg:$0x0] =	wrdreg $0xFFFFFFFF;
	(pc) =	sbr.abs _section_cstart, $3  }
0xc1: {  	[dreg:$0x1] =	wrdreg $0xFFFFFFFF  }
0xc2: {  	_ =	task.clear_ibuf [dreg:s7], $0x2FFFF;
	_ =	strace $0x9FFFFFFF  }
0xc3: {  	(tm) =	ssettm $0x7FFFFFFF  }
tec
execute0_lowered:
.L_overlay_start_1:
0x0: {  	(tag) =	ssettag $0x1  }
0x1: {  	s0 =	rddreg [dreg:$0x0]  }
0x2: {  	s2 =	rddreg [dreg:$0x1]  }
0x3: {  	s5 =	rddreg [dreg:$0x2]  }
0x4: {  	s1 =	simm.s32 $0x0;
	s3 =	srdreg.scid;
	s7 =	stileid.u32  }
0x5: {  	s12 =	simm.s32 $0xFE00;
	s15 =	simm.s32 $0x0;
	[smem:$0x7FF] =	sst s1  }
0x6: {  	s4 =	sand.u32 $0x1, s3;
	s29 =	sadd.s32 $0x1400, s0;
	s3 =	sadd.s32 $0x1600, s0  }
0x7: {  	s8 =	smul.u32 $0xC800, s7;
	s10 =	sshll.u32 s7, $0x7;
	p0 =	sne.s32 s7, $0x0  }
0x8: {  	_ =	strace $0x80000047;
	s6 =	ssub.s32 $0x2, s4;
	s11 =	smul.u32 $0x6400, s4  }
0x9: {  	[dreg:$0x4] =	wrdreg s29;
	s9 =	sshll.u32 s4, $0xB;
	s30 =	sshrl.u32 s6, $0x1  }
0xa: {  	s4 =	sor.u32 s10, s9;
	s0 =	ssub.s32 s6, s30;
	s2 =	sadd.s32 s2, s11  }
0xb: {  	s31 =	sshrl.u32 s8, $0x2;
	[dreg:$0x5] =	wrdreg s2;
	s0 =	smax.u32 s0, $0x1  }
0xc: {  	s10 =	simm.s32 $0x4;
	[dreg:$0x6] =	wrdreg s0;
	s0 =	sshrl.u32 @!p0 s5, $0x3  }
0xd: {  	s6 =	sadd.s32 s31, s5;
	s11 =	simm.s32 $0x3600;
	[dreg:$0x7] =	wrdreg s0  }
.LBB2_1:
0xe: {  	s0 =	rddreg [dreg:$0x4]  }
0xf: {  	s2 =	rddreg [dreg:$0x5]  }
0x10: {  	[tilespmem:s1], [sflag:$0x3] =	stream.linear.gather [hbm4b:s0+s1], $0x400, $0x38;
	[tilespmem:$0x1C600] =	vst v63  }
0x11: {  	s5 =	rddreg [dreg:$0x7];
	s0 =	simm.s32 @!p0 $0x1C04  }
0x12: {  	[spmem:s5], [sflag:s0] =	dma.local @!p0 [hbm:s2], $0x6400  }
0x13: {  	s0 =	simm.s32 @!p0 $0x4  }
0x14: {  	_ =	swait.ge @!p0 [sflag:s0], $0x6400  }
0x15: {  	[sflag:s0] =	ssyncset.done @!p0 $0x0  }
0x16: {  	s31 =	simm.s32 $0x3;
	[sflag:s0] =	ssyncadd.s32 @!p0 $0xFFFF9C00  }
0x17: {  	_ =	swait.ge [sflag:s31], $0x400  }
0x18: {  	[sflag:s31] =	ssyncset.done $0x0  }
0x19: {  	[sflag:s31] =	ssyncadd.s32 $0xFFFFFC00  }
0x1a: {  	s16 =	simm.s32 $0x0;
	[bflag:$0x0] =	sbarrier.arrive $0xFFFF  }
.LBB2_2:
0x1b: {  	s0 =	smul.u32 $0x640, s16;
	_ =	sdelay $0x1  }
0x1c: {  	s0 =	sshra.s32 s0, $0x2  }
0x1d: {  	s0 =	sadd.s32 s0, s6  }
0x1e: {  	[smem:s1], [sflag:$0x4] =	stream.linear.gather [spmem:s0], $0x190, $0x38;
	[tilespmem:$0x1C600] =	vst v63  }
0x1f: {  	_ =	swait.ge [sflag:s10], $0x190  }
0x20: {  	p1 =	seq.s32 s16, $0x0;
	[sflag:s10] =	ssyncset.done $0x0  }
0x21: {  	s0 =	simm.s32 @!p1 $0x1;
	[sflag:s10] =	ssyncadd.s32 $0xFFFFFE70  }
0x22: {  	_ =	swait.ge @!p1 [sflag:s0], $0xC800  }
0x23: {  	[sflag:s0] =	ssyncset.done @!p1 $0x0  }
0x24: {  	[sflag:s0] =	ssyncadd.s32 @!p1 $0xFFFF3800  }
0x25: {  	s0 =	sld [smem:$0x1];
	_ =	sdelay $0x1  }
0x26: {  	s5 =	sld [smem:$0x0]  }
0x27: {  	s7 =	sshll.u32 s0, $0x2  }
0x28: {  	s7 =	sand.u32 $0xFFFFFFC0, s7  }
0x29: {  	s2 =	sld [smem:$0x64];
	s8 =	sshll.u32 s5, $0x2;
	v0 =	vld [tilespmem:s7+$0x0]  }
0x2a: {  	s8 =	sand.u32 $0xFFFFFFC0, s8  }
0x2b: {  	v1 =	vld [tilespmem:s8+$0x0];
	_ =	sdelay $0x1  }
0x2c: {  	s17 =	simm.s32 $0x9BB0  }
0x2d: {  	[tilespmem:s17+$0xFFFF9B50] =	vst v0  }
0x2e: {  	v0 =	vld [tilespmem:s7+$0x10]  }
0x2f: {  	[tilespmem:s17+$0xFFFF9A50] =	vst v1  }
0x30: {  	v1 =	vld [tilespmem:s8+$0x10];
	_ =	sdelay $0x2  }
0x31: {  	[tilespmem:s17+$0xFFFF9B60] =	vst v0  }
0x32: {  	v0 =	vld [tilespmem:s7+$0x20]  }
0x33: {  	[tilespmem:s17+$0xFFFF9A60] =	vst v1  }
0x34: {  	v1 =	vld [tilespmem:s8+$0x20];
	_ =	sdelay $0x2  }
0x35: {  	[tilespmem:s17+$0xFFFF9B70] =	vst v0  }
0x36: {  	v0 =	vld [tilespmem:s7+$0x30]  }
0x37: {  	[tilespmem:s17+$0xFFFF9A70] =	vst v1  }
0x38: {  	v1 =	vld [tilespmem:s8+$0x30];
	_ =	sdelay $0x1  }
0x39: {  	s0 =	sshll.u32 s0, $0x6  }
0x3a: {  	s23 =	sand.u32 $0x3C0, s0;
	[tilespmem:s17+$0xFFFF9B80] =	vst v0  }
0x3b: {  	s5 =	sshll.u32 s5, $0x6;
	v0 =	vld [tilespmem:s23+$0x0]  }
0x3c: {  	s5 =	sand.u32 $0x3C0, s5;
	[tilespmem:s17+$0xFFFF9A80] =	vst v1  }
0x3d: {  	v1 =	vld [tilespmem:s5+$0x0];
	s8 =	sld [smem:$0x3];
	_ =	sdelay $0x1  }
0x3e: {  	s9 =	sld [smem:$0x2]  }
0x3f: {  	s0 =	sld [smem:$0x66];
	s18 =	sshll.u32 s8, $0x2;
	[tilespmem:s17+$0xFFFF9BD0] =	vst v0  }
0x40: {  	s19 =	sand.u32 $0xFFFFFFC0, s18;
	v0 =	vld [tilespmem:s23+$0x10]  }
0x41: {  	[tilespmem:s17+$0xFFFF9AD0] =	vst v1;
	v2 =	vld [tilespmem:s19+$0x0]  }
0x42: {  	s24 =	sshll.u32 s9, $0x2;
	v1 =	vld [tilespmem:s5+$0x10]  }
0x43: {  	s20 =	sand.u32 $0xFFFFFFC0, s24  }
0x44: {  	v3 =	vld [tilespmem:s20+$0x0]  }
0x45: {  	s18 =	simm.s32 $0x9DB0;
	[tilespmem:s17+$0xFFFF9BE0] =	vst v0  }
0x46: {  	[tilespmem:s18+$0xFFFF9B50] =	vst v2;
	v0 =	vld [tilespmem:s23+$0x20]  }
0x47: {  	[tilespmem:s17+$0xFFFF9AE0] =	vst v1;
	v2 =	vld [tilespmem:s19+$0x10]  }
0x48: {  	v1 =	vld [tilespmem:s5+$0x20]  }
0x49: {  	[tilespmem:s18+$0xFFFF9A50] =	vst v3  }
0x4a: {  	v3 =	vld [tilespmem:s20+$0x10]  }
0x4b: {  	[tilespmem:s17+$0xFFFF9BF0] =	vst v0  }
0x4c: {  	[tilespmem:s18+$0xFFFF9B60] =	vst v2  }
0x4d: {  	[tilespmem:s17+$0xFFFF9AF0] =	vst v1;
	v0 =	vld [tilespmem:s23+$0x30]  }
0x4e: {  	v1 =	vld [tilespmem:s5+$0x30];
	s21 =	sld [smem:$0x65]  }
0x4f: {  	[tilespmem:s18+$0xFFFF9A60] =	vst v3;
	v2 =	vld [tilespmem:s19+$0x20]  }
0x50: {  	v3 =	vld [tilespmem:s20+$0x20]  }
0x51: {  	s25 =	sshll.u32 s21, $0x2  }
0x52: {  	s26 =	sshll.u32 s2, $0x2;
	[tilespmem:s17+$0xFFFF9C00] =	vst v0;
	s22 =	sand.u32 $0xFFFFFFC0, s25  }
0x53: {  	s23 =	sand.u32 $0xFFFFFFC0, s26;
	[tilespmem:s17+$0xFFFF9B00] =	vst v1;
	v0 =	vld [tilespmem:s22+$0x0]  }
0x54: {  	[tilespmem:s18+$0xFFFF9B70] =	vst v2;
	v1 =	vld [tilespmem:s23+$0x0]  }
0x55: {  	[tilespmem:s18+$0xFFFF9A70] =	vst v3;
	v2 =	vld [tilespmem:s19+$0x30]  }
0x56: {  	v3 =	vld [tilespmem:s20+$0x30];
	_ =	sdelay $0x1  }
0x57: {  	[tilespmem:s17+$0xFFFFFF50] =	vst v0  }
0x58: {  	s7 =	sshll.u32 s8, $0x6;
	[tilespmem:s17+$0xFFFFFE50] =	vst v1;
	v0 =	vld [tilespmem:s22+$0x10]  }
0x59: {  	s8 =	sshll.u32 s9, $0x6;
	s9 =	sand.u32 $0x3C0, s7;
	[tilespmem:s18+$0xFFFF9B80] =	vst v2;
	v1 =	vld [tilespmem:s23+$0x10]  }
0x5a: {  	s24 =	sand.u32 $0x3C0, s8;
	[tilespmem:s18+$0xFFFF9A80] =	vst v3;
	v2 =	vld [tilespmem:s9+$0x0]  }
0x5b: {  	v3 =	vld [tilespmem:s24+$0x0];
	s8 =	sld [smem:$0x5];
	_ =	sdelay $0x1  }
0x5c: {  	[tilespmem:s17+$0xFFFFFF60] =	vst v0  }
0x5d: {  	s13 =	sshll.u32 s8, $0x2;
	s7 =	sld [smem:$0x4];
	[tilespmem:s17+$0xFFFFFE60] =	vst v1;
	v0 =	vld [tilespmem:s22+$0x20]  }
0x5e: {  	s25 =	sand.u32 $0xFFFFFFC0, s13;
	s5 =	sld [smem:$0x68];
	v1 =	vld [tilespmem:s23+$0x20]  }
0x5f: {  	[tilespmem:s18+$0xFFFF9BD0] =	vst v2;
	v4 =	vld [tilespmem:s25+$0x0]  }
0x60: {  	[tilespmem:s18+$0xFFFF9AD0] =	vst v3;
	v2 =	vld [tilespmem:s9+$0x10];
	s14 =	sshll.u32 s7, $0x2  }
0x61: {  	v3 =	vld [tilespmem:s24+$0x10];
	s26 =	sand.u32 $0xFFFFFFC0, s14  }
0x62: {  	v5 =	vld [tilespmem:s26+$0x0];
	[tilespmem:s17+$0xFFFFFF70] =	vst v0  }
0x63: {  	s19 =	simm.s32 $0x9FB0;
	[tilespmem:s17+$0xFFFFFE70] =	vst v1;
	v0 =	vld [tilespmem:s22+$0x30]  }
0x64: {  	[tilespmem:s19+$0xFFFF9B50] =	vst v4;
	v1 =	vld [tilespmem:s23+$0x30]  }
0x65: {  	[tilespmem:s18+$0xFFFF9BE0] =	vst v2;
	v4 =	vld [tilespmem:s25+$0x10]  }
0x66: {  	[tilespmem:s18+$0xFFFF9AE0] =	vst v3;
	v2 =	vld [tilespmem:s9+$0x20]  }
0x67: {  	v3 =	vld [tilespmem:s24+$0x20];
	[tilespmem:s19+$0xFFFF9A50] =	vst v5  }
0x68: {  	s23 =	sshll.u32 s21, $0x6;
	[tilespmem:s17+$0xFFFFFF80] =	vst v0  }
0x69: {  	s2 =	sshll.u32 s2, $0x6;
	s13 =	sand.u32 $0x3C0, s23;
	v5 =	vld [tilespmem:s26+$0x10];
	[tilespmem:s17+$0xFFFFFE80] =	vst v1  }
0x6a: {  	s20 =	sand.u32 $0x3C0, s2;
	v0 =	vld [tilespmem:s13+$0x0];
	[tilespmem:s19+$0xFFFF9B60] =	vst v4  }
0x6b: {  	[tilespmem:s18+$0xFFFF9BF0] =	vst v2;
	v1 =	vld [tilespmem:s20+$0x0]  }
0x6c: {  	[tilespmem:s18+$0xFFFF9AF0] =	vst v3;
	v2 =	vld [tilespmem:s9+$0x30]  }
0x6d: {  	v3 =	vld [tilespmem:s24+$0x30];
	s22 =	sld [smem:$0x67]  }
0x6e: {  	v4 =	vld [tilespmem:s25+$0x20];
	[tilespmem:s19+$0xFFFF9A60] =	vst v5  }
0x6f: {  	v5 =	vld [tilespmem:s26+$0x20];
	[tilespmem:s17+$0xFFFFFFD0] =	vst v0  }
0x70: {  	s9 =	sshll.u32 s22, $0x2;
	[tilespmem:s17+$0xFFFFFED0] =	vst v1;
	v0 =	vld [tilespmem:s13+$0x10]  }
0x71: {  	s14 =	sshll.u32 s0, $0x2;
	s29 =	sand.u32 $0xFFFFFFC0, s9;
	[tilespmem:s18+$0xFFFF9C00] =	vst v2;
	v1 =	vld [tilespmem:s20+$0x10]  }
0x72: {  	s23 =	sand.u32 $0xFFFFFFC0, s14;
	[tilespmem:s18+$0xFFFF9B00] =	vst v3;
	v2 =	vld [tilespmem:s29+$0x0]  }
0x73: {  	[tilespmem:s19+$0xFFFF9B70] =	vst v4;
	v3 =	vld [tilespmem:s23+$0x0]  }
0x74: {  	v4 =	vld [tilespmem:s25+$0x30];
	[tilespmem:s19+$0xFFFF9A70] =	vst v5  }
0x75: {  	v5 =	vld [tilespmem:s26+$0x30];
	[tilespmem:s17+$0xFFFFFFE0] =	vst v0  }
0x76: {  	[tilespmem:s17+$0xFFFFFEE0] =	vst v1;
	v0 =	vld [tilespmem:s13+$0x20]  }
0x77: {  	[tilespmem:s18+$0xFFFFFF50] =	vst v2;
	v6 =	vld [tilespmem:s20+$0x20]  }
0x78: {  	s21 =	sshll.u32 s8, $0x6;
	[tilespmem:s18+$0xFFFFFE50] =	vst v3;
	v1 =	vld [tilespmem:s29+$0x10]  }
0x79: {  	s7 =	sshll.u32 s7, $0x6;
	s24 =	sshll.u32 s0, $0x6;
	s0 =	sand.u32 $0x3C0, s21;
	[tilespmem:s19+$0xFFFF9B80] =	vst v4;
	v2 =	vld [tilespmem:s23+$0x10]  }
0x7a: {  	s30 =	simm.s32 $0x4;
	s31 =	simm.s32 $0x6B;
	s28 =	sand.u32 $0x3C0, s7;
	v3 =	vld [tilespmem:s0+$0x0];
	[tilespmem:s19+$0xFFFF9A80] =	vst v5  }
0x7b: {  	s21 =	sand.u32 $0x3C0, s24;
	s25 =	sshll.u32 s5, $0x2;
	s5 =	sshll.u32 s5, $0x6;
	v4 =	vld [tilespmem:s28+$0x0];
	[tilespmem:s17+$0xFFFFFFF0] =	vst v0  }
0x7c: {  	s25 =	sand.u32 $0xFFFFFFC0, s25;
	s24 =	sand.u32 $0x3C0, s5;
	s26 =	simm.s32 $0x69;
	[tilespmem:s17+$0xFFFFFEF0] =	vst v6;
	v0 =	vld [tilespmem:s13+$0x30]  }
.LBB2_3:
0x7d: {  	s2 =	sld [smem:s31+$0xFFFFFF9C];
	s30 =	sadd.s32 $0x2, s30;
	[tilespmem:s18+$0xFFFFFF60] =	vst v1;
	v1 =	vld [tilespmem:s20+$0x30];
	s20 =	smov.u32 s21  }
0x7e: {  	s21 =	smov.u32 s24;
	s5 =	sld [smem:s31+$0xFFFFFF9B];
	p2 =	slt.u32 s30, $0x62;
	[tilespmem:s18+$0xFFFFFE60] =	vst v2;
	v2 =	vld [tilespmem:s29+$0x20]  }
0x7f: {  	s8 =	sld [smem:s31+$0xFFFFFFFF];
	[tilespmem:s19+$0xFFFF9BD0] =	vst v3;
	v3 =	vld [tilespmem:s23+$0x20]  }
0x80: {  	s7 =	sshll.u32 s2, $0x2;
	[tilespmem:s19+$0xFFFF9AD0] =	vst v4;
	v4 =	vld [tilespmem:s0+$0x10]  }
0x81: {  	s9 =	sshll.u32 s5, $0x2;
	s13 =	sshll.u32 s5, $0x6;
	s5 =	sand.u32 $0xFFFFFFC0, s7;
	v5 =	vld [tilespmem:s28+$0x10];
	[tilespmem:s17+$0x0] =	vst v0  }
0x82: {  	s7 =	sand.u32 $0xFFFFFFC0, s9;
	s9 =	sand.u32 $0x3C0, s13;
	s13 =	sshll.u32 s8, $0x2;
	v0 =	vld [tilespmem:s5+$0x0];
	[tilespmem:s17+$0xFFFFFF00] =	vst v1  }
0x83: {  	s8 =	sshll.u32 s8, $0x6;
	s17 =	smov.u32 s18;
	v1 =	vld [tilespmem:s7+$0x0];
	s13 =	sand.u32 $0xFFFFFFC0, s13;
	[tilespmem:s18+$0xFFFFFF70] =	vst v2  }
0x84: {  	s24 =	sand.u32 $0x3C0, s8;
	s18 =	smov.u32 s19;
	[tilespmem:s17+$0xFFFFFE70] =	vst v3;
	v2 =	vld [tilespmem:s29+$0x30]  }
0x85: {  	[tilespmem:s19+$0xFFFF9BE0] =	vst v4;
	v3 =	vld [tilespmem:s23+$0x30];
	s23 =	smov.u32 s25;
	s25 =	smov.u32 s13  }
0x86: {  	s19 =	sadd.s32 $0x200, s19;
	[tilespmem:s18+$0xFFFF9AE0] =	vst v5;
	v4 =	vld [tilespmem:s0+$0x20]  }
0x87: {  	[tilespmem:s19+$0xFFFF9B50] =	vst v0;
	v0 =	vld [tilespmem:s28+$0x20]  }
0x88: {  	s8 =	sshll.u32 s22, $0x6;
	[tilespmem:s19+$0xFFFF9A50] =	vst v1;
	v1 =	vld [tilespmem:s5+$0x10]  }
0x89: {  	s8 =	sand.u32 $0x3C0, s8;
	v5 =	vld [tilespmem:s7+$0x10];
	[tilespmem:s17+$0xFFFFFF80] =	vst v2  }
0x8a: {  	[tilespmem:s17+$0xFFFFFE80] =	vst v3;
	v2 =	vld [tilespmem:s8+$0x0]  }
0x8b: {  	[tilespmem:s18+$0xFFFF9BF0] =	vst v4;
	v3 =	vld [tilespmem:s20+$0x0]  }
0x8c: {  	[tilespmem:s18+$0xFFFF9AF0] =	vst v0;
	v0 =	vld [tilespmem:s0+$0x30]  }
0x8d: {  	[tilespmem:s19+$0xFFFF9B60] =	vst v1;
	v1 =	vld [tilespmem:s28+$0x30];
	s22 =	sld [smem:s26+$0x0];
	s28 =	smov.u32 s9;
	s26 =	smov.u32 s31  }
0x8e: {  	[tilespmem:s19+$0xFFFF9A60] =	vst v5;
	v4 =	vld [tilespmem:s5+$0x20]  }
0x8f: {  	v5 =	vld [tilespmem:s7+$0x20];
	[tilespmem:s17+$0xFFFFFFD0] =	vst v2  }
0x90: {  	s0 =	sshll.u32 s22, $0x2;
	[tilespmem:s17+$0xFFFFFED0] =	vst v3;
	v2 =	vld [tilespmem:s8+$0x10]  }
0x91: {  	[tilespmem:s18+$0xFFFF9C00] =	vst v0;
	s29 =	sand.u32 $0xFFFFFFC0, s0;
	v0 =	vld [tilespmem:s20+$0x10]  }
0x92: {  	[tilespmem:s18+$0xFFFF9B00] =	vst v1;
	v1 =	vld [tilespmem:s29+$0x0]  }
0x93: {  	[tilespmem:s19+$0xFFFF9B70] =	vst v4;
	v3 =	vld [tilespmem:s23+$0x0]  }
0x94: {  	[tilespmem:s19+$0xFFFF9A70] =	vst v5;
	v4 =	vld [tilespmem:s5+$0x30]  }
0x95: {  	v5 =	vld [tilespmem:s7+$0x30];
	[tilespmem:s17+$0xFFFFFFE0] =	vst v2  }
0x96: {  	[tilespmem:s17+$0xFFFFFEE0] =	vst v0;
	v0 =	vld [tilespmem:s8+$0x20]  }
0x97: {  	[tilespmem:s18+$0xFFFFFF50] =	vst v1;
	v6 =	vld [tilespmem:s20+$0x20]  }
.Ltmp0:
0x98: {  	s0 =	sshll.u32 s2, $0x6;
	[tilespmem:s18+$0xFFFFFE50] =	vst v3;
	v1 =	vld [tilespmem:s29+$0x10];
	(pc) =	sbr.rel @p2 .LBB2_3-.Ltmp0, $4  }
0x99: {  	s0 =	sand.u32 $0x3C0, s0;
	[tilespmem:s19+$0xFFFF9B80] =	vst v4;
	v2 =	vld [tilespmem:s23+$0x10]  }
0x9a: {  	[tilespmem:s19+$0xFFFF9A80] =	vst v5;
	v3 =	vld [tilespmem:s0+$0x0]  }
0x9b: {  	v4 =	vld [tilespmem:s28+$0x0];
	[tilespmem:s17+$0xFFFFFFF0] =	vst v0  }
0x9c: {  	s31 =	sadd.s32 $0x2, s31;
	[tilespmem:s17+$0xFFFFFEF0] =	vst v6;
	v0 =	vld [tilespmem:s8+$0x30]  }
0x9d: {  	_ =	sdelay $0x1  }
0x9e: {  	[tilespmem:s19+$0xFFFF9BD0] =	vst v3  }
0x9f: {  	[tilespmem:s19+$0xFFFF9AD0] =	vst v4;
	v3 =	vld [tilespmem:s0+$0x10]  }
0xa0: {  	v4 =	vld [tilespmem:s28+$0x10];
	_ =	sdelay $0x3  }
0xa1: {  	[tilespmem:s19+$0xFFFF9BE0] =	vst v3  }
0xa2: {  	[tilespmem:s19+$0xFFFF9AE0] =	vst v4;
	v3 =	vld [tilespmem:s0+$0x20]  }
0xa3: {  	v4 =	vld [tilespmem:s28+$0x20];
	_ =	sdelay $0x3  }
0xa4: {  	[tilespmem:s19+$0xFFFF9BF0] =	vst v3  }
0xa5: {  	[tilespmem:s19+$0xFFFF9AF0] =	vst v4;
	v3 =	vld [tilespmem:s0+$0x30]  }
0xa6: {  	v4 =	vld [tilespmem:s28+$0x30];
	s14 =	sld [smem:s26+$0x0];
	_ =	sdelay $0x2  }
0xa7: {  	s2 =	sshll.u32 s14, $0x2  }
0xa8: {  	[tilespmem:s19+$0xFFFF9C00] =	vst v3;
	s2 =	sand.u32 $0xFFFFFFC0, s2  }
0xa9: {  	[tilespmem:s19+$0xFFFF9B00] =	vst v4;
	v3 =	vld [tilespmem:s2+$0x0]  }
0xaa: {  	v4 =	vld [tilespmem:s25+$0x0];
	_ =	sdelay $0x3  }
0xab: {  	[tilespmem:s19+$0xFFFFFF50] =	vst v3  }
0xac: {  	[tilespmem:s19+$0xFFFFFE50] =	vst v4;
	v3 =	vld [tilespmem:s2+$0x10]  }
0xad: {  	v4 =	vld [tilespmem:s25+$0x10];
	_ =	sdelay $0x1  }
0xae: {  	[tilespmem:s18+$0xFFFFFE60] =	vst v2  }
0xaf: {  	[tilespmem:s18+$0xFFFFFF60] =	vst v1;
	v2 =	vld [tilespmem:s23+$0x20]  }
0xb0: {  	v1 =	vld [tilespmem:s29+$0x20];
	[tilespmem:s19+$0xFFFFFF60] =	vst v3  }
0xb1: {  	[tilespmem:s19+$0xFFFFFE60] =	vst v4;
	v3 =	vld [tilespmem:s2+$0x20]  }
0xb2: {  	v4 =	vld [tilespmem:s25+$0x20];
	_ =	sdelay $0x1  }
0xb3: {  	[tilespmem:s18+$0xFFFFFE70] =	vst v2  }
0xb4: {  	[tilespmem:s18+$0xFFFFFF70] =	vst v1;
	v2 =	vld [tilespmem:s23+$0x30]  }
0xb5: {  	v1 =	vld [tilespmem:s29+$0x30];
	[tilespmem:s19+$0xFFFFFF70] =	vst v3  }
0xb6: {  	[tilespmem:s19+$0xFFFFFE70] =	vst v4;
	v3 =	vld [tilespmem:s2+$0x30]  }
0xb7: {  	v4 =	vld [tilespmem:s25+$0x30];
	_ =	sdelay $0x1  }
0xb8: {  	s23 =	sshll.u32 s22, $0x6;
	[tilespmem:s18+$0xFFFFFE80] =	vst v2  }
0xb9: {  	[tilespmem:s18+$0xFFFFFF80] =	vst v1;
	v2 =	vld [tilespmem:s21+$0x0];
	s0 =	sshll.u32 s14, $0x6;
	s2 =	sand.u32 $0x3C0, s23  }
0xba: {  	s0 =	sand.u32 $0x3C0, s0;
	v1 =	vld [tilespmem:s2+$0x0];
	[tilespmem:s19+$0xFFFFFF80] =	vst v3  }
0xbb: {  	[tilespmem:s19+$0xFFFFFE80] =	vst v4;
	v3 =	vld [tilespmem:s0+$0x0]  }
0xbc: {  	v4 =	vld [tilespmem:s24+$0x0];
	_ =	sdelay $0x1  }
0xbd: {  	[tilespmem:s18+$0xFFFFFED0] =	vst v2  }
0xbe: {  	v2 =	vld [tilespmem:s21+$0x10];
	[tilespmem:s18+$0xFFFFFFD0] =	vst v1  }
0xbf: {  	v1 =	vld [tilespmem:s2+$0x10];
	[tilespmem:s19+$0xFFFFFFD0] =	vst v3  }
0xc0: {  	[tilespmem:s19+$0xFFFFFED0] =	vst v4;
	v3 =	vld [tilespmem:s0+$0x10]  }
0xc1: {  	v4 =	vld [tilespmem:s24+$0x10];
	_ =	sdelay $0x1  }
0xc2: {  	[tilespmem:s18+$0xFFFFFEE0] =	vst v2  }
0xc3: {  	v2 =	vld [tilespmem:s21+$0x20];
	[tilespmem:s18+$0xFFFFFFE0] =	vst v1  }
0xc4: {  	v1 =	vld [tilespmem:s2+$0x20];
	[tilespmem:s19+$0xFFFFFFE0] =	vst v3  }
0xc5: {  	[tilespmem:s19+$0xFFFFFEE0] =	vst v4;
	v3 =	vld [tilespmem:s0+$0x20]  }
0xc6: {  	v4 =	vld [tilespmem:s24+$0x20];
	_ =	sdelay $0x1  }
0xc7: {  	v5 =	vld [tilespmem:s20+$0x30];
	[tilespmem:s18+$0xFFFFFEF0] =	vst v2  }
0xc8: {  	v2 =	vld [tilespmem:s21+$0x30];
	[tilespmem:s18+$0xFFFFFFF0] =	vst v1  }
0xc9: {  	v1 =	vld [tilespmem:s2+$0x30];
	[tilespmem:s19+$0xFFFFFFF0] =	vst v3  }
0xca: {  	[tilespmem:s19+$0xFFFFFEF0] =	vst v4;
	v3 =	vld [tilespmem:s0+$0x30]  }
0xcb: {  	[tilespmem:s17+$0x0] =	vst v0;
	v0 =	vld [tilespmem:s24+$0x30]  }
0xcc: {  	[tilespmem:s17+$0xFFFFFF00] =	vst v5;
	s21 =	sshll.u32 s16, $0x2  }
0xcd: {  	[tilespmem:s18+$0xFFFFFF00] =	vst v2;
	s24 =	sadd.s32 s4, s21  }
0xce: {  	[tilespmem:s18+$0x0] =	vst v1;
	s0 =	smul.u32 $0xC80, s24  }
0xcf: {  	[tilespmem:s19+$0x0] =	vst v3  }
0xd0: {  	s0 =	sadd.s32 s3, s0;
	[tilespmem:s19+$0xFFFFFF00] =	vst v0  }
0xd1: {  	[hbm4b:s0+s1] =	stream.linear.scatter [tilespmem:s11], [sflag:$0x1], $0xC800, $0x38;
	[tilespmem:$0x1C600] =	vst v63  }
0xd2: {  	s0 =	simm.s32 @!p1 $0x2  }
0xd3: {  	_ =	swait.ge @!p1 [sflag:s0], $0xC800  }
0xd4: {  	[sflag:s0] =	ssyncset.done @!p1 $0x0  }
0xd5: {  	[sflag:s0] =	ssyncadd.s32 @!p1 $0xFFFF3800  }
0xd6: {  	s0 =	sld [smem:$0xC9];
	_ =	sdelay $0x1  }
0xd7: {  	s5 =	sld [smem:$0xC8]  }
0xd8: {  	s7 =	sshll.u32 s0, $0x2  }
0xd9: {  	s7 =	sand.u32 $0xFFFFFFC0, s7  }
0xda: {  	s2 =	sld [smem:$0x12C];
	s8 =	sshll.u32 s5, $0x2;
	v0 =	vld [tilespmem:s7+$0x0]  }
0xdb: {  	s8 =	sand.u32 $0xFFFFFFC0, s8  }
0xdc: {  	v1 =	vld [tilespmem:s8+$0x0];
	_ =	sdelay $0x1  }
0xdd: {  	s17 =	simm.s32 $0x163B0  }
0xde: {  	[tilespmem:s17+$0xFFFF9B50] =	vst v0  }
0xdf: {  	v0 =	vld [tilespmem:s7+$0x10]  }
0xe0: {  	[tilespmem:s17+$0xFFFF9A50] =	vst v1  }
0xe1: {  	v1 =	vld [tilespmem:s8+$0x10];
	_ =	sdelay $0x2  }
0xe2: {  	[tilespmem:s17+$0xFFFF9B60] =	vst v0  }
0xe3: {  	v0 =	vld [tilespmem:s7+$0x20]  }
0xe4: {  	[tilespmem:s17+$0xFFFF9A60] =	vst v1  }
0xe5: {  	v1 =	vld [tilespmem:s8+$0x20];
	_ =	sdelay $0x2  }
0xe6: {  	[tilespmem:s17+$0xFFFF9B70] =	vst v0  }
0xe7: {  	v0 =	vld [tilespmem:s7+$0x30]  }
0xe8: {  	[tilespmem:s17+$0xFFFF9A70] =	vst v1  }
0xe9: {  	v1 =	vld [tilespmem:s8+$0x30];
	_ =	sdelay $0x1  }
0xea: {  	s0 =	sshll.u32 s0, $0x6  }
0xeb: {  	s25 =	sand.u32 $0x3C0, s0;
	[tilespmem:s17+$0xFFFF9B80] =	vst v0  }
0xec: {  	s5 =	sshll.u32 s5, $0x6;
	v0 =	vld [tilespmem:s25+$0x0]  }
0xed: {  	s5 =	sand.u32 $0x3C0, s5;
	[tilespmem:s17+$0xFFFF9A80] =	vst v1  }
0xee: {  	v1 =	vld [tilespmem:s5+$0x0];
	s8 =	sld [smem:$0xCB];
	_ =	sdelay $0x1  }
0xef: {  	s9 =	sld [smem:$0xCA]  }
0xf0: {  	s0 =	sld [smem:$0x12E];
	s13 =	sshll.u32 s8, $0x2;
	[tilespmem:s17+$0xFFFF9BD0] =	vst v0  }
0xf1: {  	s13 =	sand.u32 $0xFFFFFFC0, s13;
	v0 =	vld [tilespmem:s25+$0x10]  }
0xf2: {  	[tilespmem:s17+$0xFFFF9AD0] =	vst v1;
	v2 =	vld [tilespmem:s13+$0x0]  }
0xf3: {  	s26 =	sshll.u32 s9, $0x2;
	v1 =	vld [tilespmem:s5+$0x10]  }
0xf4: {  	s14 =	sand.u32 $0xFFFFFFC0, s26  }
0xf5: {  	v3 =	vld [tilespmem:s14+$0x0]  }
0xf6: {  	s18 =	simm.s32 $0x165B0;
	[tilespmem:s17+$0xFFFF9BE0] =	vst v0  }
0xf7: {  	[tilespmem:s18+$0xFFFF9B50] =	vst v2;
	v0 =	vld [tilespmem:s25+$0x20]  }
0xf8: {  	[tilespmem:s17+$0xFFFF9AE0] =	vst v1;
	v2 =	vld [tilespmem:s13+$0x10]  }
0xf9: {  	v1 =	vld [tilespmem:s5+$0x20]  }
0xfa: {  	[tilespmem:s18+$0xFFFF9A50] =	vst v3  }
0xfb: {  	v3 =	vld [tilespmem:s14+$0x10]  }
0xfc: {  	[tilespmem:s17+$0xFFFF9BF0] =	vst v0  }
0xfd: {  	[tilespmem:s18+$0xFFFF9B60] =	vst v2  }
0xfe: {  	[tilespmem:s17+$0xFFFF9AF0] =	vst v1;
	v0 =	vld [tilespmem:s25+$0x30]  }
0xff: {  	v1 =	vld [tilespmem:s5+$0x30];
	s20 =	sld [smem:$0x12D]  }
0x100: {  	[tilespmem:s18+$0xFFFF9A60] =	vst v3;
	v2 =	vld [tilespmem:s13+$0x20]  }
0x101: {  	v3 =	vld [tilespmem:s14+$0x20]  }
0x102: {  	s22 =	sshll.u32 s20, $0x2  }
0x103: {  	s23 =	sshll.u32 s2, $0x2;
	[tilespmem:s17+$0xFFFF9C00] =	vst v0;
	s22 =	sand.u32 $0xFFFFFFC0, s22  }
0x104: {  	s23 =	sand.u32 $0xFFFFFFC0, s23;
	[tilespmem:s17+$0xFFFF9B00] =	vst v1;
	v0 =	vld [tilespmem:s22+$0x0]  }
0x105: {  	[tilespmem:s18+$0xFFFF9B70] =	vst v2;
	v1 =	vld [tilespmem:s23+$0x0]  }
0x106: {  	[tilespmem:s18+$0xFFFF9A70] =	vst v3;
	v2 =	vld [tilespmem:s13+$0x30]  }
0x107: {  	v3 =	vld [tilespmem:s14+$0x30];
	_ =	sdelay $0x1  }
0x108: {  	[tilespmem:s17+$0xFFFFFF50] =	vst v0  }
0x109: {  	s24 =	sshll.u32 s8, $0x6;
	[tilespmem:s17+$0xFFFFFE50] =	vst v1;
	v0 =	vld [tilespmem:s22+$0x10]  }
0x10a: {  	s25 =	sshll.u32 s9, $0x6;
	s9 =	sand.u32 $0x3C0, s24;
	[tilespmem:s18+$0xFFFF9B80] =	vst v2;
	v1 =	vld [tilespmem:s23+$0x10]  }
0x10b: {  	s13 =	sand.u32 $0x3C0, s25;
	[tilespmem:s18+$0xFFFF9A80] =	vst v3;
	v2 =	vld [tilespmem:s9+$0x0]  }
0x10c: {  	v3 =	vld [tilespmem:s13+$0x0];
	s8 =	sld [smem:$0xCD];
	_ =	sdelay $0x1  }
0x10d: {  	[tilespmem:s17+$0xFFFFFF60] =	vst v0  }
0x10e: {  	s26 =	sshll.u32 s8, $0x2;
	s7 =	sld [smem:$0xCC];
	[tilespmem:s17+$0xFFFFFE60] =	vst v1;
	v0 =	vld [tilespmem:s22+$0x20]  }
0x10f: {  	s25 =	sand.u32 $0xFFFFFFC0, s26;
	s5 =	sld [smem:$0x130];
	v1 =	vld [tilespmem:s23+$0x20]  }
0x110: {  	[tilespmem:s18+$0xFFFF9BD0] =	vst v2;
	v4 =	vld [tilespmem:s25+$0x0]  }
0x111: {  	[tilespmem:s18+$0xFFFF9AD0] =	vst v3;
	v2 =	vld [tilespmem:s9+$0x10];
	s14 =	sshll.u32 s7, $0x2  }
0x112: {  	v3 =	vld [tilespmem:s13+$0x10];
	s26 =	sand.u32 $0xFFFFFFC0, s14  }
0x113: {  	v5 =	vld [tilespmem:s26+$0x0];
	[tilespmem:s17+$0xFFFFFF70] =	vst v0  }
0x114: {  	s19 =	simm.s32 $0x167B0;
	[tilespmem:s17+$0xFFFFFE70] =	vst v1;
	v0 =	vld [tilespmem:s22+$0x30]  }
0x115: {  	[tilespmem:s19+$0xFFFF9B50] =	vst v4;
	v1 =	vld [tilespmem:s23+$0x30]  }
0x116: {  	[tilespmem:s18+$0xFFFF9BE0] =	vst v2;
	v4 =	vld [tilespmem:s25+$0x10]  }
0x117: {  	[tilespmem:s18+$0xFFFF9AE0] =	vst v3;
	v2 =	vld [tilespmem:s9+$0x20]  }
0x118: {  	v3 =	vld [tilespmem:s13+$0x20];
	[tilespmem:s19+$0xFFFF9A50] =	vst v5  }
0x119: {  	s20 =	sshll.u32 s20, $0x6;
	[tilespmem:s17+$0xFFFFFF80] =	vst v0  }
0x11a: {  	s2 =	sshll.u32 s2, $0x6;
	s14 =	sand.u32 $0x3C0, s20;
	v5 =	vld [tilespmem:s26+$0x10];
	[tilespmem:s17+$0xFFFFFE80] =	vst v1  }
0x11b: {  	s20 =	sand.u32 $0x3C0, s2;
	v0 =	vld [tilespmem:s14+$0x0];
	[tilespmem:s19+$0xFFFF9B60] =	vst v4  }
0x11c: {  	[tilespmem:s18+$0xFFFF9BF0] =	vst v2;
	v1 =	vld [tilespmem:s20+$0x0]  }
0x11d: {  	[tilespmem:s18+$0xFFFF9AF0] =	vst v3;
	v2 =	vld [tilespmem:s9+$0x30]  }
0x11e: {  	v3 =	vld [tilespmem:s13+$0x30];
	s23 =	sld [smem:$0x12F]  }
0x11f: {  	v4 =	vld [tilespmem:s25+$0x20];
	[tilespmem:s19+$0xFFFF9A60] =	vst v5  }
0x120: {  	v5 =	vld [tilespmem:s26+$0x20];
	[tilespmem:s17+$0xFFFFFFD0] =	vst v0  }
0x121: {  	s22 =	sshll.u32 s23, $0x2;
	[tilespmem:s17+$0xFFFFFED0] =	vst v1;
	v0 =	vld [tilespmem:s14+$0x10]  }
0x122: {  	s24 =	sshll.u32 s0, $0x2;
	s29 =	sand.u32 $0xFFFFFFC0, s22;
	[tilespmem:s18+$0xFFFF9C00] =	vst v2;
	v1 =	vld [tilespmem:s20+$0x10]  }
0x123: {  	s24 =	sand.u32 $0xFFFFFFC0, s24;
	[tilespmem:s18+$0xFFFF9B00] =	vst v3;
	v2 =	vld [tilespmem:s29+$0x0]  }
0x124: {  	[tilespmem:s19+$0xFFFF9B70] =	vst v4;
	v3 =	vld [tilespmem:s24+$0x0]  }
0x125: {  	v4 =	vld [tilespmem:s25+$0x30];
	[tilespmem:s19+$0xFFFF9A70] =	vst v5  }
0x126: {  	v5 =	vld [tilespmem:s26+$0x30];
	[tilespmem:s17+$0xFFFFFFE0] =	vst v0  }
0x127: {  	[tilespmem:s17+$0xFFFFFEE0] =	vst v1;
	v0 =	vld [tilespmem:s14+$0x20]  }
0x128: {  	[tilespmem:s18+$0xFFFFFF50] =	vst v2;
	v6 =	vld [tilespmem:s20+$0x20]  }
0x129: {  	s31 =	simm.s32 $0x4;
	s25 =	sshll.u32 s8, $0x6;
	[tilespmem:s18+$0xFFFFFE50] =	vst v3;
	v1 =	vld [tilespmem:s29+$0x10]  }
0x12a: {  	s28 =	simm.s32 $0x131;
	s7 =	sshll.u32 s7, $0x6;
	s2 =	sand.u32 $0x3C0, s25;
	[tilespmem:s19+$0xFFFF9B80] =	vst v4;
	v2 =	vld [tilespmem:s24+$0x10]  }
0x12b: {  	s21 =	sor.u32 $0x2, s21;
	s0 =	sshll.u32 s0, $0x6;
	s30 =	sand.u32 $0x3C0, s7;
	v3 =	vld [tilespmem:s2+$0x0];
	[tilespmem:s19+$0xFFFF9A80] =	vst v5  }
0x12c: {  	s22 =	sand.u32 $0x3C0, s0;
	s26 =	sshll.u32 s5, $0x2;
	s5 =	sshll.u32 s5, $0x6;
	v4 =	vld [tilespmem:s30+$0x0];
	[tilespmem:s17+$0xFFFFFFF0] =	vst v0  }
0x12d: {  	s0 =	simm.s32 $0x133;
	s26 =	sand.u32 $0xFFFFFFC0, s26;
	s25 =	sand.u32 $0x3C0, s5;
	[tilespmem:s17+$0xFFFFFEF0] =	vst v6;
	v0 =	vld [tilespmem:s14+$0x30]  }
.LBB2_5:
0x12e: {  	s5 =	sld [smem:s0+$0xFFFFFF9C];
	s31 =	sadd.s32 $0x2, s31;
	[tilespmem:s18+$0xFFFFFF60] =	vst v1;
	v1 =	vld [tilespmem:s20+$0x30];
	s20 =	smov.u32 s22  }
0x12f: {  	s22 =	smov.u32 s25;
	s7 =	sld [smem:s0+$0xFFFFFF9B];
	p1 =	slt.u32 s31, $0x62;
	[tilespmem:s18+$0xFFFFFE60] =	vst v2;
	v2 =	vld [tilespmem:s29+$0x20]  }
0x130: {  	s9 =	sld [smem:s0+$0xFFFFFFFF];
	[tilespmem:s19+$0xFFFF9BD0] =	vst v3;
	v3 =	vld [tilespmem:s24+$0x20]  }
0x131: {  	s8 =	sshll.u32 s5, $0x2;
	[tilespmem:s19+$0xFFFF9AD0] =	vst v4;
	v4 =	vld [tilespmem:s2+$0x10]  }
0x132: {  	s13 =	sshll.u32 s7, $0x2;
	s14 =	sshll.u32 s7, $0x6;
	s7 =	sand.u32 $0xFFFFFFC0, s8;
	v5 =	vld [tilespmem:s30+$0x10];
	[tilespmem:s17+$0x0] =	vst v0  }
0x133: {  	s8 =	sand.u32 $0xFFFFFFC0, s13;
	s13 =	sand.u32 $0x3C0, s14;
	s14 =	sshll.u32 s9, $0x2;
	v0 =	vld [tilespmem:s7+$0x0];
	[tilespmem:s17+$0xFFFFFF00] =	vst v1  }
0x134: {  	s9 =	sshll.u32 s9, $0x6;
	s17 =	smov.u32 s18;
	v1 =	vld [tilespmem:s8+$0x0];
	s14 =	sand.u32 $0xFFFFFFC0, s14;
	[tilespmem:s18+$0xFFFFFF70] =	vst v2  }
0x135: {  	s25 =	sand.u32 $0x3C0, s9;
	s18 =	smov.u32 s19;
	[tilespmem:s17+$0xFFFFFE70] =	vst v3;
	v2 =	vld [tilespmem:s29+$0x30]  }
0x136: {  	[tilespmem:s19+$0xFFFF9BE0] =	vst v4;
	v3 =	vld [tilespmem:s24+$0x30];
	s24 =	smov.u32 s26;
	s26 =	smov.u32 s14  }
0x137: {  	s19 =	sadd.s32 $0x200, s19;
	[tilespmem:s18+$0xFFFF9AE0] =	vst v5;
	v4 =	vld [tilespmem:s2+$0x20]  }
0x138: {  	[tilespmem:s19+$0xFFFF9B50] =	vst v0;
	v0 =	vld [tilespmem:s30+$0x20]  }
0x139: {  	s9 =	sshll.u32 s23, $0x6;
	[tilespmem:s19+$0xFFFF9A50] =	vst v1;
	v1 =	vld [tilespmem:s7+$0x10]  }
0x13a: {  	s9 =	sand.u32 $0x3C0, s9;
	v5 =	vld [tilespmem:s8+$0x10];
	[tilespmem:s17+$0xFFFFFF80] =	vst v2  }
0x13b: {  	[tilespmem:s17+$0xFFFFFE80] =	vst v3;
	v2 =	vld [tilespmem:s9+$0x0]  }
0x13c: {  	[tilespmem:s18+$0xFFFF9BF0] =	vst v4;
	v3 =	vld [tilespmem:s20+$0x0]  }
0x13d: {  	[tilespmem:s18+$0xFFFF9AF0] =	vst v0;
	v0 =	vld [tilespmem:s2+$0x30]  }
0x13e: {  	[tilespmem:s19+$0xFFFF9B60] =	vst v1;
	v1 =	vld [tilespmem:s30+$0x30];
	s23 =	sld [smem:s28+$0x0];
	s30 =	smov.u32 s13;
	s28 =	smov.u32 s0  }
0x13f: {  	[tilespmem:s19+$0xFFFF9A60] =	vst v5;
	v4 =	vld [tilespmem:s7+$0x20]  }
0x140: {  	v5 =	vld [tilespmem:s8+$0x20];
	[tilespmem:s17+$0xFFFFFFD0] =	vst v2  }
0x141: {  	s2 =	sshll.u32 s23, $0x2;
	[tilespmem:s17+$0xFFFFFED0] =	vst v3;
	v2 =	vld [tilespmem:s9+$0x10]  }
0x142: {  	[tilespmem:s18+$0xFFFF9C00] =	vst v0;
	s29 =	sand.u32 $0xFFFFFFC0, s2;
	v0 =	vld [tilespmem:s20+$0x10]  }
0x143: {  	[tilespmem:s18+$0xFFFF9B00] =	vst v1;
	v1 =	vld [tilespmem:s29+$0x0]  }
0x144: {  	[tilespmem:s19+$0xFFFF9B70] =	vst v4;
	v3 =	vld [tilespmem:s24+$0x0]  }
0x145: {  	[tilespmem:s19+$0xFFFF9A70] =	vst v5;
	v4 =	vld [tilespmem:s7+$0x30]  }
0x146: {  	v5 =	vld [tilespmem:s8+$0x30];
	[tilespmem:s17+$0xFFFFFFE0] =	vst v2  }
0x147: {  	[tilespmem:s17+$0xFFFFFEE0] =	vst v0;
	v0 =	vld [tilespmem:s9+$0x20]  }
0x148: {  	[tilespmem:s18+$0xFFFFFF50] =	vst v1;
	v6 =	vld [tilespmem:s20+$0x20]  }
.Ltmp1:
0x149: {  	s2 =	sshll.u32 s5, $0x6;
	[tilespmem:s18+$0xFFFFFE50] =	vst v3;
	v1 =	vld [tilespmem:s29+$0x10];
	(pc) =	sbr.rel @p1 .LBB2_5-.Ltmp1, $4  }
0x14a: {  	s2 =	sand.u32 $0x3C0, s2;
	[tilespmem:s19+$0xFFFF9B80] =	vst v4;
	v2 =	vld [tilespmem:s24+$0x10]  }
0x14b: {  	[tilespmem:s19+$0xFFFF9A80] =	vst v5;
	v3 =	vld [tilespmem:s2+$0x0]  }
0x14c: {  	v4 =	vld [tilespmem:s30+$0x0];
	[tilespmem:s17+$0xFFFFFFF0] =	vst v0  }
0x14d: {  	s0 =	sadd.s32 $0x2, s0;
	[tilespmem:s17+$0xFFFFFEF0] =	vst v6;
	v0 =	vld [tilespmem:s9+$0x30]  }
0x14e: {  	_ =	sdelay $0x1  }
0x14f: {  	[tilespmem:s19+$0xFFFF9BD0] =	vst v3  }
0x150: {  	[tilespmem:s19+$0xFFFF9AD0] =	vst v4;
	v3 =	vld [tilespmem:s2+$0x10]  }
0x151: {  	v4 =	vld [tilespmem:s30+$0x10];
	_ =	sdelay $0x3  }
0x152: {  	[tilespmem:s19+$0xFFFF9BE0] =	vst v3  }
0x153: {  	[tilespmem:s19+$0xFFFF9AE0] =	vst v4;
	v3 =	vld [tilespmem:s2+$0x20]  }
0x154: {  	v4 =	vld [tilespmem:s30+$0x20];
	_ =	sdelay $0x3  }
0x155: {  	[tilespmem:s19+$0xFFFF9BF0] =	vst v3  }
0x156: {  	[tilespmem:s19+$0xFFFF9AF0] =	vst v4;
	v3 =	vld [tilespmem:s2+$0x30]  }
0x157: {  	v4 =	vld [tilespmem:s30+$0x30];
	s0 =	sld [smem:s28+$0x0];
	_ =	sdelay $0x2  }
0x158: {  	s28 =	sshll.u32 s0, $0x2  }
0x159: {  	[tilespmem:s19+$0xFFFF9C00] =	vst v3;
	s2 =	sand.u32 $0xFFFFFFC0, s28  }
0x15a: {  	[tilespmem:s19+$0xFFFF9B00] =	vst v4;
	v3 =	vld [tilespmem:s2+$0x0]  }
0x15b: {  	v4 =	vld [tilespmem:s26+$0x0];
	_ =	sdelay $0x3  }
0x15c: {  	[tilespmem:s19+$0xFFFFFF50] =	vst v3  }
0x15d: {  	[tilespmem:s19+$0xFFFFFE50] =	vst v4;
	v3 =	vld [tilespmem:s2+$0x10]  }
0x15e: {  	v4 =	vld [tilespmem:s26+$0x10];
	_ =	sdelay $0x1  }
0x15f: {  	[tilespmem:s18+$0xFFFFFE60] =	vst v2  }
0x160: {  	[tilespmem:s18+$0xFFFFFF60] =	vst v1;
	v2 =	vld [tilespmem:s24+$0x20]  }
0x161: {  	v1 =	vld [tilespmem:s29+$0x20];
	[tilespmem:s19+$0xFFFFFF60] =	vst v3  }
0x162: {  	[tilespmem:s19+$0xFFFFFE60] =	vst v4;
	v3 =	vld [tilespmem:s2+$0x20]  }
0x163: {  	v4 =	vld [tilespmem:s26+$0x20];
	_ =	sdelay $0x1  }
0x164: {  	[tilespmem:s18+$0xFFFFFE70] =	vst v2  }
0x165: {  	[tilespmem:s18+$0xFFFFFF70] =	vst v1;
	v2 =	vld [tilespmem:s24+$0x30]  }
0x166: {  	v1 =	vld [tilespmem:s29+$0x30];
	[tilespmem:s19+$0xFFFFFF70] =	vst v3  }
0x167: {  	[tilespmem:s19+$0xFFFFFE70] =	vst v4;
	v3 =	vld [tilespmem:s2+$0x30]  }
0x168: {  	v4 =	vld [tilespmem:s26+$0x30];
	_ =	sdelay $0x1  }
0x169: {  	[tilespmem:s18+$0xFFFFFE80] =	vst v2;
	s30 =	sshll.u32 s23, $0x6  }
0x16a: {  	[tilespmem:s18+$0xFFFFFF80] =	vst v1;
	v2 =	vld [tilespmem:s22+$0x0];
	s0 =	sshll.u32 s0, $0x6;
	s2 =	sand.u32 $0x3C0, s30  }
0x16b: {  	s0 =	sand.u32 $0x3C0, s0;
	v1 =	vld [tilespmem:s2+$0x0];
	[tilespmem:s19+$0xFFFFFF80] =	vst v3  }
0x16c: {  	[tilespmem:s19+$0xFFFFFE80] =	vst v4;
	v3 =	vld [tilespmem:s0+$0x0]  }
0x16d: {  	v4 =	vld [tilespmem:s25+$0x0];
	_ =	sdelay $0x1  }
0x16e: {  	[tilespmem:s18+$0xFFFFFED0] =	vst v2  }
0x16f: {  	v2 =	vld [tilespmem:s22+$0x10];
	[tilespmem:s18+$0xFFFFFFD0] =	vst v1  }
0x170: {  	v1 =	vld [tilespmem:s2+$0x10];
	[tilespmem:s19+$0xFFFFFFD0] =	vst v3  }
0x171: {  	[tilespmem:s19+$0xFFFFFED0] =	vst v4;
	v3 =	vld [tilespmem:s0+$0x10]  }
0x172: {  	v4 =	vld [tilespmem:s25+$0x10];
	_ =	sdelay $0x1  }
0x173: {  	[tilespmem:s18+$0xFFFFFEE0] =	vst v2  }
0x174: {  	v2 =	vld [tilespmem:s22+$0x20];
	[tilespmem:s18+$0xFFFFFFE0] =	vst v1  }
0x175: {  	v1 =	vld [tilespmem:s2+$0x20];
	[tilespmem:s19+$0xFFFFFFE0] =	vst v3  }
0x176: {  	[tilespmem:s19+$0xFFFFFEE0] =	vst v4;
	v3 =	vld [tilespmem:s0+$0x20]  }
0x177: {  	v4 =	vld [tilespmem:s25+$0x20];
	_ =	sdelay $0x1  }
0x178: {  	v5 =	vld [tilespmem:s20+$0x30];
	[tilespmem:s18+$0xFFFFFEF0] =	vst v2  }
0x179: {  	v2 =	vld [tilespmem:s22+$0x30];
	[tilespmem:s18+$0xFFFFFFF0] =	vst v1  }
0x17a: {  	v1 =	vld [tilespmem:s2+$0x30];
	[tilespmem:s19+$0xFFFFFFF0] =	vst v3  }
0x17b: {  	[tilespmem:s19+$0xFFFFFEF0] =	vst v4;
	v3 =	vld [tilespmem:s0+$0x30]  }
0x17c: {  	s16 =	sadd.s32 $0x1, s16;
	[tilespmem:s17+$0x0] =	vst v0;
	v63 =	vld [tilespmem:s25+$0x30]  }
0x17d: {  	p1 =	sne.s32 s16, $0x20;
	[tilespmem:s17+$0xFFFFFF00] =	vst v5  }
.Ltmp2:
0x17e: {  	s31 =	sadd.s32 s4, s21;
	[tilespmem:s18+$0xFFFFFF00] =	vst v2;
	(pc) =	sbr.rel @p1 .LBB2_2-.Ltmp2, $4  }
0x17f: {  	[tilespmem:s18+$0x0] =	vst v1;
	s0 =	smul.u32 $0xC80, s31  }
0x180: {  	[tilespmem:s19+$0x0] =	vst v3  }
0x181: {  	s0 =	sadd.s32 s3, s0;
	[tilespmem:s19+$0xFFFFFF00] =	vst v63  }
0x182: {  	[hbm4b:s0+s1] =	stream.linear.scatter [tilespmem:s12], [sflag:$0x2], $0xC800, $0x38;
	[tilespmem:$0x1C600] =	vst v63  }
0x183: {  	s0 =	simm.s32 $0x1  }
0x184: {  	_ =	swait.ge [sflag:s0], $0xC800  }
0x185: {  	[sflag:s0] =	ssyncset.done $0x0  }
0x186: {  	s2 =	simm.s32 $0x2;
	[sflag:s0] =	ssyncadd.s32 $0xFFFF3800  }
0x187: {  	_ =	swait.ge [sflag:s2], $0xC800  }
0x188: {  	s15 =	sadd.s32 $0x1, s15;
	s31 =	rddreg [dreg:$0x6]  }
0x189: {  	p1 =	sne.s32 s15, s31  }
.Ltmp3:
0x18a: {  	_ = 	snop;
	(pc) =	sbr.rel @p1 .LBB2_1-.Ltmp3, $3  }
0x18b: {  	_ =	sdelay $0x1  }
0x18c: {  	[sflag:s2] =	ssyncset.done $0x0  }
0x18d: {  	[sflag:s2] =	ssyncadd.s32 $0xFFFF3800  }
0x18e: {  	_ =	sfence.sel $0x180000  }
0x18f: {  	[bflag:$0x0] =	sbarrier.arrive $0xFFFF  }
0x190: {  	_ =	strace $0x90000047  }
0x191: {  	[bflag:$0x2] =	sbarrier.arrive $0xFFFF  }
0x192: {  	s0 =	rddreg [dreg:$0x3]  }
0x193: {  	s0 =	sadd.s32 @!p0 $0x100000, s0  }
0x194: {  	[sflag:s0] =	ssyncadd.tile.s32 @!p0 $0x1;
	_ =	shalt  }
.Lfunc_end2:
_tile_overlayer_lowered:
.L_overlay_start_2:
0x195: {  	(tag) =	ssettag $0x2  }
0x196: {  	s0 =	rddreg [dreg:$0x0];
	s2 =	stileid.u32  }
0x197: {  	s1 =	rddreg [dreg:$0x1];
	p0 =	sne.s32 s2, $0x0  }
0x198: {  	s3 =	rddreg [dreg:$0x2];
	[bflag:$0x3] =	sbarrier.arrive $0xFFFF;
	s2 =	simm.s32 @!p0 $0x1C04  }
0x199: {  	[timem:s3], [sflag:s2] =	dma.local @!p0 [hbm:s0], s1  }
0x19a: {  	s0 =	simm.s32 @!p0 $0x4  }
0x19b: {  	_ =	swait.ge @!p0 [sflag:s0], s1  }
0x19c: {  	s1 =	ssub.s32 @!p0 $0x0, s1;
	[sflag:s0] =	ssyncset.done @!p0 $0x0  }
0x19d: {  	[sflag:s0] =	ssyncadd.s32 @!p0 s1  }
0x19e: {  	[bflag:$0x3] =	sbarrier.arrive $0xFFFF  }
0x19f: {  	_ =	shalt  }

// kernel: sparse-core-data-format-call.cloned.1.call-start
scs
called_computation_lowered:
.L_overlay_start_0:
0x0: {  	s2 =	sld [smem:$0x3FD9]  }
0x1: {  	s3 =	sld [smem:$0x3FFE];
	_ =	sdelay $0x1  }
0x2: {  	s1 =	srdreg.scid  }
0x3: {  	s0 =	sand.u32 $0x1, s1  }
0x4: {  	s18 =	sshll.u32 s0, $0xA;
	s2 =	sadd.s32 s3, s2  }
0x5: {  	s2 =	sadd.s32 s2, s18  }
0x6: {  	[smem:$0x3FC2] =	sst s2  }
0x7: {  	_ = 	snop  }
0x8: {  	s2 =	sld [smem:$0x3FD0];
	(tm) =	ssettm $0x1  }
0x9: {  	s19 =	sld [smem:$0x3FFB];
	_ =	sdelay $0x3  }
0xa: {  	_ =	strace s19  }
0xb: {  	s3 =	sld [smem:$0x3FFC];
	_ =	sdelay $0x3  }
0xc: {  	_ =	strace s3  }
0xd: {  	s3 =	sld [smem:$0x3FFD];
	_ =	sdelay $0x3  }
0xe: {  	_ =	strace s3  }
0xf: {  	_ =	strace $0x8FFFFFFF  }
0x10: {  	s20 =	sld [smem:$0x3FDB];
	_ =	sdelay $0x1  }
0x11: {  	s4 =	simm.s32 $_scs_section_size  }
0x12: {  	s5 =	simm.s32 $_size__tile_overlayer_lowered;
	s6 =	simm.s32 $_tile_overlayer_lowered  }
0x13: {  	s23 =	simm.s32 $0x1BFF;
	s22 =	sshll.u32 s6, $0x1;
	s3 =	sadd.s32 s4, s20  }
0x14: {  	s7 =	simm.s32 $0x0;
	s21 =	sshll.u32 s5, $0x1;
	s5 =	sadd.s32 s22, s3  }
0x15: {  	[timem:s7], [sflag:s23] =	dma.local [hbm:s5], s21  }
0x16: {  	_ =	swait.ge [sflag:s23], s21  }
0x17: {  	s4 =	ssub.s32 $0x0, s21;
	[sflag:s23] =	ssyncset.done $0x0  }
0x18: {  	[sflag:s23] =	ssyncadd.s32 s4;
	_ =	sdelay $0x1  }
0x19: {  	s24 =	simm.s32 $0x1B8B  }
0x1a: {  	_ =	swait.ge [sflag:s24], $0x1  }
0x1b: {  	[sflag:s24] =	ssyncset.done $0x0  }
0x1c: {  	s26 =	simm.s32 $0x1B8E;
	s25 =	sld [smem:$0x3FFE];
	[sflag:s24] =	ssyncadd.s32 $0xFFFFFFFF  }
0x1d: {  	s27 =	simm.s32 $execute0_lowered;
	[smem:$0x3FD2] =	sst s26  }
0x1e: {  	s5 =	sshll.u32 s27, $0x1;
	_ =	strace $0x80000049;
	[dreg:$0x1] =	wrdreg $0xFFFFFFFF  }
0x1f: {  	s28 =	simm.s32 $_size_execute0_lowered;
	s3 =	sadd.s32 s3, s5;
	[dreg:$0x0] =	wrdreg $0x0  }
0x20: {  	s5 =	sshll.u32 s28, $0x1;
	[dreg:$0x2] =	wrdreg s3  }
0x21: {  	[dreg:$0x3] =	wrdreg s5  }
0x22: {  	[dreg:$0x4] =	wrdreg $0xC0  }
0x23: {  	_ =	task [dreg:s7], $0x5FFFF  }
0x24: {  	[dreg:$0x1] =	wrdreg $0xFFFFFFFF  }
0x25: {  	[dreg:$0x0] =	wrdreg $0x60  }
0x26: {  	[dreg:$0x2] =	wrdreg s25  }
0x27: {  	[dreg:$0x3] =	wrdreg s2  }
0x28: {  	[dreg:$0x4] =	wrdreg $0x9  }
0x29: {  	_ =	task.clear_ibuf [dreg:s7], $0x5FFFF;
	_ =	strace $0x90000049  }
0x2a: {  	s29 =	simm.s32 $0x9;
	_ =	strace $0x8000004B  }
0x2b: {  	_ =	swait.ge [sflag:s29], $0x1  }
0x2c: {  	[sflag:s29] =	ssyncadd.s32 $0xFFFFFFFF  }
0x2d: {  	_ =	strace $0x9000004B  }
0x2e: {  	_ =	sfence  }
0x2f: {  	s30 =	sld [smem:$0x0];
	_ =	sdelay $0x2  }
0x30: {  	s31 =	sshll.u32 s1, $0xD;
	s1 =	sshrl.u32 s1, $0x2  }
0x31: {  	s3 =	sand.u32 $0x4000, s31;
	s1 =	sadd.s32 s1, s30  }
0x32: {  	s0 =	sor.u32 s3, s0;
	s1 =	sshll.u32 s1, $0x11  }
0x33: {  	s0 =	sor.u32 s1, s0  }
0x34: {  	s0 =	sadd.s32 $0x8F2B, s0  }
0x35: {  	[sflag:s0] =	ssyncadd.remote.s32 $0x1  }
0x36: {  	_ =	sfence.sel $0xFFFF  }
0x37: {  	[dreg:$0x0] =	wrdreg $0xFFFFFFFF;
	(pc) =	sbr.abs _section_cstart, $3  }
0x38: {  	[dreg:$0x1] =	wrdreg $0xFFFFFFFF  }
0x39: {  	_ =	task.clear_ibuf [dreg:s7], $0x2FFFF;
	_ =	strace $0x9FFFFFFF  }
0x3a: {  	(tm) =	ssettm $0x7FFFFFFF  }
0x3b: {  	_ =	shalt  }
tec
execute0_lowered:
.L_overlay_start_1:
0x0: {  	(tag) =	ssettag $0x1  }
0x1: {  	s0 =	srdreg.scid  }
0x2: {  	s1 =	sshll.u32 s0, $0x4  }
0x3: {  	s0 =	stileid.u32;
	s1 =	sand.u32 $0x10, s1  }
0x4: {  	s1 =	sor.u32 s0, s1  }
0x5: {  	s6 =	rddreg [dreg:$0x0];
	s4 =	simm.s32 $0x1;
	s2 =	sshll.u32 s1, $0x7  }
0x6: {  	s7 =	simm.s32 $0x2;
	s12 =	simm.s32 $0x0;
	s1 =	ssub.s32 $0x1000, s2  }
0x7: {  	s8 =	simm.s32 $0x8000;
	s13 =	simm.s32 $0x0;
	s3 =	sand.u32 $0xF80, s1  }
0x8: {  	s9 =	simm.s32 $0x0;
	s5 =	sshrl.u32 s1, $0xC;
	p0 =	sne.s32 s3, $0x0  }
.Ltmp0:
0x9: {  	s1 =	rddreg [dreg:$0x2];
	s4 =	simm.s32 @!p0 $0x0;
	(pc) =	sbr.rel .LBB1_1-.Ltmp0, $4  }
0xa: {  	s11 =	simm.s32 $0x0;
	s3 =	rddreg [dreg:$0x1];
	s5 =	sadd.s32 s4, s5  }
0xb: {  	_ =	strace $0x8000004A;
	s4 =	simm.s32 $0x1;
	s5 =	smul.u32 $0xC8, s5  }
0xc: {  	s6 =	sadd.s32 $0x1600, s6;
	s10 =	smov.u32 s2;
	[sflag:s4] =	ssyncpa.u1 $0x0  }
0xd: {  	p0 =	por $0x0, $0x0;
	[sflag:s7] =	ssyncpa.u1 $0x0;
	s7 =	sor.u32 $0x1, s5  }
.LBB1_4:
0xe: {  	s16 =	sshll.u32 s13, $0x3;
	s17 =	sand.u32 $0x78, s13  }
0xf: {  	s30 =	sand.u32 $0x7E00, s13;
	s12 =	sshll.u32 s12, $0xF;
	s16 =	sand.u32 $0xC00, s16  }
0x10: {  	[tilespmem:s15+$0x810 ss:$0x81] =	vst.msk $0xffff, v2;
	s31 =	sand.u32 $0x7, s13;
	s16 =	sor.u32 s17, s16;
	s17 =	sadd.s32 s3, s30  }
0x11: {  	[tilespmem:s15+$0x1020 ss:$0x81] =	vst.msk $0xffff, v0;
	s13 =	sshll.u32 s31, $0x12;
	s12 =	sadd.s32 s12, s17;
	s16 =	sshrl.u32 s16, $0x3  }
0x12: {  	[tilespmem:s15+$0x0 ss:$0x81] =	vst.msk $0xffff, v1;
	s13 =	sor.u32 $0x400, s13;
	s12 =	sadd.s32 s16, s12  }
0x13: {  	[hbm4b:s12+s13] =	stream.strided.scatter [tilespmem:s14], [sflag:$0x2], $0x2000, s8, s13, $0x20;
	[tilespmem:$0x8080] =	vst v63  }
.LBB1_5:
0x14: {  	s14 =	sadd.s32 $0x1, s9  }
0x15: {  	s12 =	sadd.s32 $0x1000, s10;
	s16 =	smov.u32 s10;
	p2 =	sgt.s32 s14, $0xC7  }
0x16: {  	s16 =	smov.u32 @p2 s12  }
0x17: {  	s14 =	simm.s32 @p2 $0x0;
	p2 =	sgt.s32 s16, $0xFFF  }
0x18: {  	s16 =	smov.u32 @p2 s2;
	p2 =	sne.s32 s11, s7  }
.Ltmp1:
0x19: {  	p1 =	slt.u32 s11, $0x2;
	(pc) =	sbr.rel @!p2 .LBB1_6-.Ltmp1, $4  }
0x1a: {  	s15 =	simm.s32 @!p1 $0x2  }
0x1b: {  	s13 =	smov.u32 s10;
	p0 =	por !p0, !p0;
	_ =	swait.ge @!p1 [sflag:s15], $0x2000  }
0x1c: {  	s12 =	smov.u32 s9;
	[sflag:s15] =	ssyncset.done @!p1 $0x0;
	s9 =	smov.u32 s14  }
0x1d: {  	s11 =	sadd.s32 $0x1, s11;
	[sflag:s15] =	ssyncadd.s32 @!p1 $0xFFFFE000;
	s10 =	smov.u32 s16  }
.LBB1_1:
0x1e: {  	p1 =	sge.u32 s11, s5  }
0x1f: {  	s14 =	sand.u32 @!p1 $0x1FFFFFF, s9  }
0x20: {  	s15 =	smulhi.u32 @!p1 $0x147AE15, s14;
	_ =	sdelay $0x1  }
0x21: {  	s15 =	smul.u32 @!p1 $0xC8, s15  }
0x22: {  	s16 =	sxor.u32 @!p1 $0xFFFFFFFF, s11;
	s17 =	smul.u32 @!p1 $0xC80, s10  }
0x23: {  	s31 =	sadd.s32 $0xFFFFFFFF, s11;
	s16 =	sshll.u32 @!p1 s16, $0xD;
	s14 =	ssub.s32 @!p1 s14, s15  }
0x24: {  	s15 =	sand.u32 @!p1 $0x2000, s16;
	s16 =	sadd.s32 @!p1 s6, s17;
	s14 =	sshll.u32 @!p1 s14, $0x4  }
0x25: {  	s17 =	simm.s32 @!p1 $0x6400;
	s14 =	sadd.s32 @!p1 s14, s16;
	s16 =	simm.s32 @!p1 $0x40  }
0x26: {  	[tilespmem:s15], [sflag:$0x1] =	stream.strided.gather @!p1 [hbm4b:s14+s16], $0x2000, s17, s16, $0x38;
	[tilespmem:$0x8080] =	vst v63  }
0x27: {  	p1 =	sge.u32 s31, s5  }
.Ltmp2:
0x28: {  	_ = 	snop;
	(pc) =	sbr.rel @p1 .LBB1_5-.Ltmp2, $1  }
0x29: {  	_ =	sdelay $0x3  }
0x2a: {  	s14 =	simm.s32 $0x1  }
0x2b: {  	_ =	swait.ge [sflag:s4], $0x2000;
	s14 =	simm.s32 @!p0 $0x0  }
0x2c: {  	[sflag:s4] =	ssyncset.done $0x0;
	s15 =	sshll.u32 s14, $0xD  }
0x2d: {  	[sflag:s4] =	ssyncadd.s32 $0xFFFFE000;
	s18 =	sor.u32 $0x20, s15  }
0x2e: {  	s14 =	smul.u32 $0x8100, s14;
	v3 =	vld [tilespmem:s18+$0x10]  }
0x2f: {  	s30 =	sand.u32 $0x1, s11;
	v2 =	vld [tilespmem:s18+$0xFFFFFFF0]  }
0x30: {  	s15 =	smul.u32 $0x8100, s30;
	s14 =	sshrl.u32 s14, $0x2;
	v0 =	vld [tilespmem:s18+$0x0]  }
0x31: {  	v1 =	vld [tilespmem:s18+$0xFFFFFFE0];
	s16 =	sor.u32 $0x4000, s14  }
0x32: {  	s31 =	sshrl.u32 s15, $0x2;
	s15 =	sadd.s32 $0x0, s16  }
0x33: {  	s17 =	simm.s32 $0x4;
	s18 =	sadd.s32 $0x40, s18;
	s14 =	sor.u32 $0x4000, s31;
	[tilespmem:s15+$0x1830 ss:$0x81] =	vst.msk $0xffff, v3  }
.LBB1_3:
0x34: {  	v3 =	vld [tilespmem:s18+$0x10];
	p1 =	sne.s32 s17, $0x1FC;
	[tilespmem:s15+$0x810 ss:$0x81] =	vst.msk $0xffff, v2;
	s19 =	smov.u32 s17;
	s17 =	sadd.s32 $0x4, s17  }
.Ltmp3:
0x35: {  	v2 =	vld [tilespmem:s18+$0xFFFFFFF0];
	[tilespmem:s15+$0x1020 ss:$0x81] =	vst.msk $0xffff, v0;
	(pc) =	sbr.rel @p1 .LBB1_3-.Ltmp3, $4  }
0x36: {  	v0 =	vld [tilespmem:s18+$0x0];
	[tilespmem:s15+$0x0 ss:$0x81] =	vst.msk $0xffff, v1  }
0x37: {  	s15 =	sshra.s32 s19, $0x2;
	v1 =	vld [tilespmem:s18+$0xFFFFFFE0]  }
0x38: {  	s15 =	sadd.s32 s15, s16  }
0x39: {  	s18 =	sadd.s32 $0x40, s18;
	[tilespmem:s15+$0x1830 ss:$0x81] =	vst.msk $0xffff, v3  }
.Ltmp4:
0x3a: {  	_ = 	snop;
	(pc) =	sbr.rel .LBB1_4-.Ltmp4, $1  }
0x3b: {  	_ =	sdelay $0x3  }
.LBB1_6:
0x3c: {  	_ =	sfence.sel $0x180000  }
0x3d: {  	s2 =	simm.s32 $0x1;
	[bflag:$0x0] =	sbarrier.arrive $0xFFFF  }
0x3e: {  	s31 =	simm.s32 $0x2;
	[sflag:s2] =	ssyncpa.u1 $0x1  }
0x3f: {  	[sflag:s31] =	ssyncpa.u1 $0x1  }
0x40: {  	p0 =	sne.s32 s0, $0x0;
	_ =	strace $0x9000004A  }
0x41: {  	s0 =	sadd.s32 @!p0 $0x100000, s1;
	[bflag:$0x2] =	sbarrier.arrive $0xFFFF  }
0x42: {  	[sflag:s0] =	ssyncadd.tile.s32 @!p0 $0x1;
	_ =	shalt  }
.Lfunc_end1:
_tile_overlayer_lowered:
.L_overlay_start_2:
0x43: {  	(tag) =	ssettag $0x2  }
0x44: {  	s0 =	rddreg [dreg:$0x0];
	s2 =	stileid.u32  }
0x45: {  	s1 =	rddreg [dreg:$0x1];
	p0 =	sne.s32 s2, $0x0  }
0x46: {  	s3 =	rddreg [dreg:$0x2];
	[bflag:$0x3] =	sbarrier.arrive $0xFFFF;
	s2 =	simm.s32 @!p0 $0x1C01  }
0x47: {  	[timem:s3], [sflag:s2] =	dma.local @!p0 [hbm:s0], s1  }
0x48: {  	s0 =	simm.s32 @!p0 $0x1  }
0x49: {  	_ =	swait.ge @!p0 [sflag:s0], s1  }
0x4a: {  	s1 =	ssub.s32 @!p0 $0x0, s1;
	[sflag:s0] =	ssyncset.done @!p0 $0x0  }
0x4b: {  	[sflag:s0] =	ssyncadd.s32 @!p0 s1  }
0x4c: {  	[bflag:$0x3] =	sbarrier.arrive $0xFFFF  }
0x4d: {  	_ =	shalt  }

</sc_bundles>
